<compile_context>
chip_gen: v7x
topology: tpu7x:2x2x1
jax: 0.10.2.dev20260603
libtpu: 0.0.44.dev20260713+nightly
codegen_flags: <defaults>
</compile_context>

<pallas_src>
import functools

import jax
import jax.numpy as jnp
from jax import lax
from jax.experimental import pallas as pl
from jax.experimental.pallas import tpu as pltpu
from jax.experimental.pallas import tpu_sc as plsc

D_MODEL = 64
LANES = 128
G = 4
GROWS = G * LANES
NRING = 5
NUM_CORES = 2
NUM_SUBCORES = 16
NUM_WORKERS = NUM_CORES * NUM_SUBCORES
N_H = 200
N_B = 16384
NBB = N_B // LANES
TILES_TOTAL = N_H * NBB
TILES_PER_W = TILES_TOTAL // NUM_WORKERS
GROUPS_PER_W = TILES_PER_W // G


def _gather_body(x_hbm, table_hbm, out_hbm, idx_v, rows_v, tile_v,
                 idx_sem, gat_sem, out_sem):
    wid = lax.axis_index("s") * NUM_CORES + lax.axis_index("c")
    t0 = wid * TILES_PER_W
    iota = lax.iota(jnp.int32, 16)

    def idx_copy(g, s):
        tc = t0 + g * G
        h = tc // NBB
        bblk = tc - h * NBB
        return pltpu.make_async_copy(
            x_hbm.at[h, pl.ds(bblk * LANES, GROWS)], idx_v.at[s], idx_sem)

    def gat_copy(g, p):
        s = lax.rem(g, 4)
        return pltpu.make_async_copy(
            table_hbm.at[idx_v.at[s]], rows_v.at[p], gat_sem)

    def out_copy(t, slot):
        tc = t0 + t
        h = tc // NBB
        bblk = tc - h * NBB
        return pltpu.make_async_copy(
            tile_v.at[slot], out_hbm.at[h, :, bblk], out_sem)

    def transpose(p, coff, slot):
        rv = rows_v.at[p]
        tv = tile_v.at[slot]

        def diag(j, carry):
            xvec = lax.bitwise_xor(iota, j)
            for d0 in (0, 16, 32, 48):
                dval = d0 + xvec
                dblkv = lax.shift_right_logical(dval, 3)
                d2v = dval & 7
                vals = [
                    plsc.load_gather(
                        rv, [coff + b16 * 16 + iota, dval])
                    for b16 in range(8)
                ]
                for b16 in range(8):
                    plsc.store_scatter(
                        tv, [dblkv, d2v, b16 * 16 + iota], vals[b16])
            return carry

        lax.fori_loop(0, 16, diag, 0)

    idx_copy(0, 0).start()
    idx_copy(1, 1).start()
    idx_copy(0, 0).wait()
    gat_copy(0, 0).start()
    idx_copy(2, 2).start()

    def step(g, carry):
        p = lax.rem(g, 2)
        q = 1 - p
        gat_copy(g, p).wait()

        @pl.when(g + 1 < GROUPS_PER_W)
        def _fire_next_gather():
            idx_copy(g + 1, lax.rem(g + 1, 4)).wait()
            gat_copy(g + 1, q).start()

        @pl.when(g + 3 < GROUPS_PER_W)
        def _prefetch_idx():
            idx_copy(g + 3, lax.rem(g + 3, 4)).start()

        def tile_step(c, carry2):
            t = g * G + c
            slot = lax.rem(t, NRING)

            @pl.when(t >= NRING)
            def _wait_ring():
                out_copy(t - NRING, slot).wait()

            transpose(p, c * LANES, slot)
            out_copy(t, slot).start()
            return carry2

        lax.fori_loop(0, G, tile_step, 0)
        return carry

    lax.fori_loop(0, GROUPS_PER_W, step, 0)
    for k in range(NRING):
        t = TILES_PER_W - NRING + k
        out_copy(t, lax.rem(t, NRING)).wait()


def _make_sc_gather():
    mesh = plsc.VectorSubcoreMesh(
        core_axis_name="c",
        subcore_axis_name="s",
        num_cores=NUM_CORES,
        num_subcores=NUM_SUBCORES,
    )
    return pl.kernel(
        _gather_body,
        out_type=jax.ShapeDtypeStruct((N_H, 8, NBB, 8, LANES), jnp.float32),
        mesh=mesh,
        scratch_types=[
            pltpu.VMEM((4, GROWS), jnp.int32),
            pltpu.VMEM((2, GROWS, D_MODEL), jnp.float32),
            pltpu.VMEM((NRING, 8, 8, LANES), jnp.float32),
            pltpu.SemaphoreType.DMA,
            pltpu.SemaphoreType.DMA,
            pltpu.SemaphoreType.DMA,
        ],
        compiler_params=pltpu.CompilerParams(
            use_tc_tiling_on_sc=False, needs_layout_passes=False),
    )


@jax.jit
def kernel(x, table):
    b, h = x.shape
    xt = x.T.astype(jnp.int32)
    a = _make_sc_gather()(xt, table)
    return a.transpose(2, 4, 0, 1, 3).reshape(b, h, D_MODEL)

# --- scband reference (transcript-rebuilt; emitter-appended) ---
"""Pipeline reference for scband-embedder-14877766714006 (READ-ONLY COPY).

The authoritative reference and input builder live on the scoring server;
editing this copy changes nothing except your own understanding.
"""

import jax, jax.numpy as jnp
import numpy as np

VOCAB = 1000000
D_MODEL = 64
BATCH = 16384
HIST = 200


def setup_inputs(seed: int = 0) -> dict:
    key = jax.random.key(seed)
    k_idx, k_tab = jax.random.split(key)
    x = jax.random.randint(k_idx, (BATCH, HIST), 0, VOCAB, dtype=jnp.int64 if jax.config.jax_enable_x64 else jnp.int32)
    table = jax.random.normal(k_tab, (VOCAB, D_MODEL), dtype=jnp.float32)
    return {"x": x, "table": table}


def reference(x, table):
    # nn.Embedding forward: plain row gather from the embedding table
    return jnp.take(table, x, axis=0)

if __name__ == "__main__":
    import jax
    _d = setup_inputs()
    print(jax.jit(kernel)(*tuple(_d.values())))

</pallas_src>

<mosaic_0001>
#map = affine_map<(d0, d1) -> (0, 0)>
#map1 = affine_map<(d0, d1) -> (0, 0, 0, 0, 0)>
module attributes {stable_mosaic.version = 14 : i64} {
  func.func @_gather_body(%arg0: i32, %arg1: i32, %arg2: memref<200x16384xi32, #tpu.memory_space<hbm>>, %arg3: memref<1000000x64xf32, #tpu.memory_space<hbm>>, %arg4: memref<200x8x128x8x128xf32, #tpu.memory_space<hbm>>, %arg5: memref<4x512xi32, #tpu.memory_space<vmem>>, %arg6: memref<2x512x64xf32, #tpu.memory_space<vmem>>, %arg7: memref<5x8x8x128xf32, #tpu.memory_space<vmem>>, %arg8: memref<!tpu.dma_semaphore, #tpu.memory_space<semaphore_mem>>, %arg9: memref<!tpu.dma_semaphore, #tpu.memory_space<semaphore_mem>>, %arg10: memref<!tpu.dma_semaphore, #tpu.memory_space<semaphore_mem>>) attributes {dimension_semantics = [#tpu.dimension_semantics<core_parallel>, #tpu.dimension_semantics<subcore_parallel>], iteration_bounds = array<i64: 2, 16>, scalar_prefetch = 0 : i64, scratch_operands = 6 : i64, tpu.core_type = #tpu.core_type<sc_vector_subcore>, window_params = [{transform_indices = #map}, {transform_indices = #map}, {transform_indices = #map1}]} {
    %mul3A = arith.constant 2 : i32
    %mul3A_0 = arith.muli %arg1, %mul3A : i32
    %add3A = arith.addi %mul3A_0, %arg0 : i32
    %mul3A_1 = arith.constant 800 : i32
    %mul3A_2 = arith.muli %add3A, %mul3A_1 : i32
    %iota3A = tpu.iota {dimensions = array<i32: 0>} : vector<16xi32>
    %add3A_3 = arith.constant 0 : i32
    %add3A_4 = arith.addi %mul3A_2, %add3A_3 : i32
    %jit3A = arith.constant 128 : i32
    %div3A = arith.divsi %add3A_4, %jit3A : i32
    %sign3A = arith.constant 0 : i32
    %sign3A_5 = arith.cmpi sgt, %add3A_4, %sign3A : i32
    %sign3A_6 = arith.extui %sign3A_5 : i1 to i32
    %sign3A_7 = arith.constant 0 : i32
    %sign3A_8 = arith.cmpi slt, %add3A_4, %sign3A_7 : i32
    %sign3A_9 = arith.extui %sign3A_8 : i1 to i32
    %sign3A_10 = arith.subi %sign3A_6, %sign3A_9 : i32
    %sign3A_11 = arith.constant 0 : i32
    %sign3A_12 = arith.cmpi sgt, %jit3A, %sign3A_11 : i32
    %sign3A_13 = arith.extui %sign3A_12 : i1 to i32
    %sign3A_14 = arith.constant 0 : i32
    %sign3A_15 = arith.cmpi slt, %jit3A, %sign3A_14 : i32
    %sign3A_16 = arith.extui %sign3A_15 : i1 to i32
    %sign3A_17 = arith.subi %sign3A_13, %sign3A_16 : i32
    %ne3A = arith.cmpi ne, %sign3A_10, %sign3A_17 : i32
    %rem3A = arith.remsi %add3A_4, %jit3A : i32
    %ne3A_18 = arith.constant 0 : i32
    %ne3A_19 = arith.cmpi ne, %rem3A, %ne3A_18 : i32
    %and3A = arith.andi %ne3A, %ne3A_19 : i1
    %sub3A = arith.constant 1 : i32
    %sub3A_20 = arith.subi %div3A, %sub3A : i32
    %select_n3A = arith.select %and3A, %sub3A_20, %div3A : i32
    %mul3A_21 = arith.constant 128 : i32
    %mul3A_22 = arith.muli %select_n3A, %mul3A_21 : i32
    %sub3A_23 = arith.subi %add3A_4, %mul3A_22 : i32
    %mul3A_24 = arith.constant 128 : i32
    %mul3A_25 = arith.muli %sub3A_23, %mul3A_24 : i32
    %dma_start3A = arith.constant 0 : i32
    %dma_start3A_26 = arith.constant 0 : i32
    %dma_start3A_27 = tpu.memref_slice %arg5[%dma_start3A, %dma_start3A_26] : memref<4x512xi32, #tpu.memory_space<vmem>> -> memref<1x512xi32, #tpu.memory_space<vmem>>
    %dma_start3A_28 = tpu.memref_squeeze %dma_start3A_27 : memref<1x512xi32, #tpu.memory_space<vmem>> -> memref<512xi32, #tpu.memory_space<vmem>>
    %dma_start3A_29 = tpu.memref_slice %arg2[%select_n3A, %mul3A_25] : memref<200x16384xi32, #tpu.memory_space<hbm>> -> memref<1x512xi32, #tpu.memory_space<hbm>>
    %dma_start3A_30 = tpu.memref_squeeze %dma_start3A_29 : memref<1x512xi32, #tpu.memory_space<hbm>> -> memref<512xi32, #tpu.memory_space<hbm>>
    %dma_start3A_31 = arith.constant 0 : i32
    %dma_start3A_32 = tpu.memref_slice %arg5[%dma_start3A, %dma_start3A_31] : memref<4x512xi32, #tpu.memory_space<vmem>> -> memref<1x512xi32, #tpu.memory_space<vmem>>
    %dma_start3A_33 = tpu.memref_squeeze %dma_start3A_32 : memref<1x512xi32, #tpu.memory_space<vmem>> -> memref<512xi32, #tpu.memory_space<vmem>>
    %dma_start3A_34 = tpu.memref_slice %arg2[%select_n3A, %mul3A_25] : memref<200x16384xi32, #tpu.memory_space<hbm>> -> memref<1x512xi32, #tpu.memory_space<hbm>>
    %dma_start3A_35 = tpu.memref_squeeze %dma_start3A_34 : memref<1x512xi32, #tpu.memory_space<hbm>> -> memref<512xi32, #tpu.memory_space<hbm>>
    tpu.enqueue_dma source(%dma_start3A_35 : memref<512xi32, #tpu.memory_space<hbm>>) target(%dma_start3A_33 : memref<512xi32, #tpu.memory_space<vmem>>) target_semaphore(%arg8 : memref<!tpu.dma_semaphore, #tpu.memory_space<semaphore_mem>>)
    %add3A_36 = arith.constant 4 : i32
    %add3A_37 = arith.addi %mul3A_2, %add3A_36 : i32
    %jit3A_38 = arith.constant 128 : i32
    %div3A_39 = arith.divsi %add3A_37, %jit3A_38 : i32
    %sign3A_40 = arith.constant 0 : i32
    %sign3A_41 = arith.cmpi sgt, %add3A_37, %sign3A_40 : i32
    %sign3A_42 = arith.extui %sign3A_41 : i1 to i32
    %sign3A_43 = arith.constant 0 : i32
    %sign3A_44 = arith.cmpi slt, %add3A_37, %sign3A_43 : i32
    %sign3A_45 = arith.extui %sign3A_44 : i1 to i32
    %sign3A_46 = arith.subi %sign3A_42, %sign3A_45 : i32
    %sign3A_47 = arith.constant 0 : i32
    %sign3A_48 = arith.cmpi sgt, %jit3A_38, %sign3A_47 : i32
    %sign3A_49 = arith.extui %sign3A_48 : i1 to i32
    %sign3A_50 = arith.constant 0 : i32
    %sign3A_51 = arith.cmpi slt, %jit3A_38, %sign3A_50 : i32
    %sign3A_52 = arith.extui %sign3A_51 : i1 to i32
    %sign3A_53 = arith.subi %sign3A_49, %sign3A_52 : i32
    %ne3A_54 = arith.cmpi ne, %sign3A_46, %sign3A_53 : i32
    %rem3A_55 = arith.remsi %add3A_37, %jit3A_38 : i32
    %ne3A_56 = arith.constant 0 : i32
    %ne3A_57 = arith.cmpi ne, %rem3A_55, %ne3A_56 : i32
    %and3A_58 = arith.andi %ne3A_54, %ne3A_57 : i1
    %sub3A_59 = arith.constant 1 : i32
    %sub3A_60 = arith.subi %div3A_39, %sub3A_59 : i32
    %select_n3A_61 = arith.select %and3A_58, %sub3A_60, %div3A_39 : i32
    %mul3A_62 = arith.constant 128 : i32
    %mul3A_63 = arith.muli %select_n3A_61, %mul3A_62 : i32
    %sub3A_64 = arith.subi %add3A_37, %mul3A_63 : i32
    %mul3A_65 = arith.constant 128 : i32
    %mul3A_66 = arith.muli %sub3A_64, %mul3A_65 : i32
    %dma_start3A_67 = arith.constant 1 : i32
    %dma_start3A_68 = arith.constant 0 : i32
    %dma_start3A_69 = tpu.memref_slice %arg5[%dma_start3A_67, %dma_start3A_68] : memref<4x512xi32, #tpu.memory_space<vmem>> -> memref<1x512xi32, #tpu.memory_space<vmem>>
    %dma_start3A_70 = tpu.memref_squeeze %dma_start3A_69 : memref<1x512xi32, #tpu.memory_space<vmem>> -> memref<512xi32, #tpu.memory_space<vmem>>
    %dma_start3A_71 = tpu.memref_slice %arg2[%select_n3A_61, %mul3A_66] : memref<200x16384xi32, #tpu.memory_space<hbm>> -> memref<1x512xi32, #tpu.memory_space<hbm>>
    %dma_start3A_72 = tpu.memref_squeeze %dma_start3A_71 : memref<1x512xi32, #tpu.memory_space<hbm>> -> memref<512xi32, #tpu.memory_space<hbm>>
    %dma_start3A_73 = arith.constant 0 : i32
    %dma_start3A_74 = tpu.memref_slice %arg5[%dma_start3A_67, %dma_start3A_73] : memref<4x512xi32, #tpu.memory_space<vmem>> -> memref<1x512xi32, #tpu.memory_space<vmem>>
    %dma_start3A_75 = tpu.memref_squeeze %dma_start3A_74 : memref<1x512xi32, #tpu.memory_space<vmem>> -> memref<512xi32, #tpu.memory_space<vmem>>
    %dma_start3A_76 = tpu.memref_slice %arg2[%select_n3A_61, %mul3A_66] : memref<200x16384xi32, #tpu.memory_space<hbm>> -> memref<1x512xi32, #tpu.memory_space<hbm>>
    %dma_start3A_77 = tpu.memref_squeeze %dma_start3A_76 : memref<1x512xi32, #tpu.memory_space<hbm>> -> memref<512xi32, #tpu.memory_space<hbm>>
    tpu.enqueue_dma source(%dma_start3A_77 : memref<512xi32, #tpu.memory_space<hbm>>) target(%dma_start3A_75 : memref<512xi32, #tpu.memory_space<vmem>>) target_semaphore(%arg8 : memref<!tpu.dma_semaphore, #tpu.memory_space<semaphore_mem>>)
    %add3A_78 = arith.constant 0 : i32
    %add3A_79 = arith.addi %mul3A_2, %add3A_78 : i32
    %jit3A_80 = arith.constant 128 : i32
    %div3A_81 = arith.divsi %add3A_79, %jit3A_80 : i32
    %sign3A_82 = arith.constant 0 : i32
    %sign3A_83 = arith.cmpi sgt, %add3A_79, %sign3A_82 : i32
    %sign3A_84 = arith.extui %sign3A_83 : i1 to i32
    %sign3A_85 = arith.constant 0 : i32
    %sign3A_86 = arith.cmpi slt, %add3A_79, %sign3A_85 : i32
    %sign3A_87 = arith.extui %sign3A_86 : i1 to i32
    %sign3A_88 = arith.subi %sign3A_84, %sign3A_87 : i32
    %sign3A_89 = arith.constant 0 : i32
    %sign3A_90 = arith.cmpi sgt, %jit3A_80, %sign3A_89 : i32
    %sign3A_91 = arith.extui %sign3A_90 : i1 to i32
    %sign3A_92 = arith.constant 0 : i32
    %sign3A_93 = arith.cmpi slt, %jit3A_80, %sign3A_92 : i32
    %sign3A_94 = arith.extui %sign3A_93 : i1 to i32
    %sign3A_95 = arith.subi %sign3A_91, %sign3A_94 : i32
    %ne3A_96 = arith.cmpi ne, %sign3A_88, %sign3A_95 : i32
    %rem3A_97 = arith.remsi %add3A_79, %jit3A_80 : i32
    %ne3A_98 = arith.constant 0 : i32
    %ne3A_99 = arith.cmpi ne, %rem3A_97, %ne3A_98 : i32
    %and3A_100 = arith.andi %ne3A_96, %ne3A_99 : i1
    %sub3A_101 = arith.constant 1 : i32
    %sub3A_102 = arith.subi %div3A_81, %sub3A_101 : i32
    %select_n3A_103 = arith.select %and3A_100, %sub3A_102, %div3A_81 : i32
    %mul3A_104 = arith.constant 128 : i32
    %mul3A_105 = arith.muli %select_n3A_103, %mul3A_104 : i32
    %sub3A_106 = arith.subi %add3A_79, %mul3A_105 : i32
    %mul3A_107 = arith.constant 128 : i32
    %mul3A_108 = arith.muli %sub3A_106, %mul3A_107 : i32
    %dma_wait3A = arith.constant 0 : i32
    %dma_wait3A_109 = arith.constant 0 : i32
    %dma_wait3A_110 = tpu.memref_slice %arg5[%dma_wait3A, %dma_wait3A_109] : memref<4x512xi32, #tpu.memory_space<vmem>> -> memref<1x512xi32, #tpu.memory_space<vmem>>
    %dma_wait3A_111 = tpu.memref_squeeze %dma_wait3A_110 : memref<1x512xi32, #tpu.memory_space<vmem>> -> memref<512xi32, #tpu.memory_space<vmem>>
    %dma_wait3A_112 = tpu.memref_slice %arg2[%select_n3A_103, %mul3A_108] : memref<200x16384xi32, #tpu.memory_space<hbm>> -> memref<1x512xi32, #tpu.memory_space<hbm>>
    %dma_wait3A_113 = tpu.memref_squeeze %dma_wait3A_112 : memref<1x512xi32, #tpu.memory_space<hbm>> -> memref<512xi32, #tpu.memory_space<hbm>>
    %dma_wait3A_114 = arith.constant 0 : i32
    %dma_wait3A_115 = tpu.memref_slice %arg5[%dma_wait3A, %dma_wait3A_114] : memref<4x512xi32, #tpu.memory_space<vmem>> -> memref<1x512xi32, #tpu.memory_space<vmem>>
    %dma_wait3A_116 = tpu.memref_squeeze %dma_wait3A_115 : memref<1x512xi32, #tpu.memory_space<vmem>> -> memref<512xi32, #tpu.memory_space<vmem>>
    %dma_wait3A_117 = tpu.memref_slice %arg2[%select_n3A_103, %mul3A_108] : memref<200x16384xi32, #tpu.memory_space<hbm>> -> memref<1x512xi32, #tpu.memory_space<hbm>>
    %dma_wait3A_118 = tpu.memref_squeeze %dma_wait3A_117 : memref<1x512xi32, #tpu.memory_space<hbm>> -> memref<512xi32, #tpu.memory_space<hbm>>
    tpu.wait_dma2 semaphore(%arg8 : memref<!tpu.dma_semaphore, #tpu.memory_space<semaphore_mem>>) src(%dma_wait3A_118 : memref<512xi32, #tpu.memory_space<hbm>>) dst(%dma_wait3A_116 : memref<512xi32, #tpu.memory_space<vmem>>)
    %rem3A_119 = arith.constant 0 : i32
    %rem3A_120 = arith.constant 4 : i32
    %rem3A_121 = arith.remsi %rem3A_119, %rem3A_120 : i32
    %dma_start3A_122 = arith.constant 0 : i32
    %dma_start3A_123 = arith.constant 0 : i32
    %dma_start3A_124 = arith.constant 0 : i32
    %dma_start3A_125 = tpu.memref_slice %arg6[%dma_start3A_122, %dma_start3A_123, %dma_start3A_124] : memref<2x512x64xf32, #tpu.memory_space<vmem>> -> memref<1x512x64xf32, #tpu.memory_space<vmem>>
    %dma_start3A_126 = tpu.memref_squeeze %dma_start3A_125 : memref<1x512x64xf32, #tpu.memory_space<vmem>> -> memref<512x64xf32, #tpu.memory_space<vmem>>
    %dma_start3A_127 = arith.constant 0 : i32
    %dma_start3A_128 = tpu.memref_slice %arg5[%rem3A_121, %dma_start3A_127] : memref<4x512xi32, #tpu.memory_space<vmem>> -> memref<1x512xi32, #tpu.memory_space<vmem>>
    %dma_start3A_129 = tpu.memref_squeeze %dma_start3A_128 : memref<1x512xi32, #tpu.memory_space<vmem>> -> memref<512xi32, #tpu.memory_space<vmem>>
    %dma_start3A_130 = arith.constant 0 : i32
    %dma_start3A_131 = arith.constant 0 : i32
    %dma_start3A_132 = tpu.memref_slice %arg3[%dma_start3A_130, %dma_start3A_131] : memref<1000000x64xf32, #tpu.memory_space<hbm>> -> memref<1000000x64xf32, #tpu.memory_space<hbm>>
    tpu.enqueue_indirect_dma source(%dma_start3A_132 : memref<1000000x64xf32, #tpu.memory_space<hbm>>) target(%dma_start3A_126 : memref<512x64xf32, #tpu.memory_space<vmem>>) offsets(%dma_start3A_129 : memref<512xi32, #tpu.memory_space<vmem>>) semaphore(%arg9 : memref<!tpu.dma_semaphore, #tpu.memory_space<semaphore_mem>>)
    %add3A_133 = arith.constant 8 : i32
    %add3A_134 = arith.addi %mul3A_2, %add3A_133 : i32
    %jit3A_135 = arith.constant 128 : i32
    %div3A_136 = arith.divsi %add3A_134, %jit3A_135 : i32
    %sign3A_137 = arith.constant 0 : i32
    %sign3A_138 = arith.cmpi sgt, %add3A_134, %sign3A_137 : i32
    %sign3A_139 = arith.extui %sign3A_138 : i1 to i32
    %sign3A_140 = arith.constant 0 : i32
    %sign3A_141 = arith.cmpi slt, %add3A_134, %sign3A_140 : i32
    %sign3A_142 = arith.extui %sign3A_141 : i1 to i32
    %sign3A_143 = arith.subi %sign3A_139, %sign3A_142 : i32
    %sign3A_144 = arith.constant 0 : i32
    %sign3A_145 = arith.cmpi sgt, %jit3A_135, %sign3A_144 : i32
    %sign3A_146 = arith.extui %sign3A_145 : i1 to i32
    %sign3A_147 = arith.constant 0 : i32
    %sign3A_148 = arith.cmpi slt, %jit3A_135, %sign3A_147 : i32
    %sign3A_149 = arith.extui %sign3A_148 : i1 to i32
    %sign3A_150 = arith.subi %sign3A_146, %sign3A_149 : i32
    %ne3A_151 = arith.cmpi ne, %sign3A_143, %sign3A_150 : i32
    %rem3A_152 = arith.remsi %add3A_134, %jit3A_135 : i32
    %ne3A_153 = arith.constant 0 : i32
    %ne3A_154 = arith.cmpi ne, %rem3A_152, %ne3A_153 : i32
    %and3A_155 = arith.andi %ne3A_151, %ne3A_154 : i1
    %sub3A_156 = arith.constant 1 : i32
    %sub3A_157 = arith.subi %div3A_136, %sub3A_156 : i32
    %select_n3A_158 = arith.select %and3A_155, %sub3A_157, %div3A_136 : i32
    %mul3A_159 = arith.constant 128 : i32
    %mul3A_160 = arith.muli %select_n3A_158, %mul3A_159 : i32
    %sub3A_161 = arith.subi %add3A_134, %mul3A_160 : i32
    %mul3A_162 = arith.constant 128 : i32
    %mul3A_163 = arith.muli %sub3A_161, %mul3A_162 : i32
    %dma_start3A_164 = arith.constant 2 : i32
    %dma_start3A_165 = arith.constant 0 : i32
    %dma_start3A_166 = tpu.memref_slice %arg5[%dma_start3A_164, %dma_start3A_165] : memref<4x512xi32, #tpu.memory_space<vmem>> -> memref<1x512xi32, #tpu.memory_space<vmem>>
    %dma_start3A_167 = tpu.memref_squeeze %dma_start3A_166 : memref<1x512xi32, #tpu.memory_space<vmem>> -> memref<512xi32, #tpu.memory_space<vmem>>
    %dma_start3A_168 = tpu.memref_slice %arg2[%select_n3A_158, %mul3A_163] : memref<200x16384xi32, #tpu.memory_space<hbm>> -> memref<1x512xi32, #tpu.memory_space<hbm>>
    %dma_start3A_169 = tpu.memref_squeeze %dma_start3A_168 : memref<1x512xi32, #tpu.memory_space<hbm>> -> memref<512xi32, #tpu.memory_space<hbm>>
    %dma_start3A_170 = arith.constant 0 : i32
    %dma_start3A_171 = tpu.memref_slice %arg5[%dma_start3A_164, %dma_start3A_170] : memref<4x512xi32, #tpu.memory_space<vmem>> -> memref<1x512xi32, #tpu.memory_space<vmem>>
    %dma_start3A_172 = tpu.memref_squeeze %dma_start3A_171 : memref<1x512xi32, #tpu.memory_space<vmem>> -> memref<512xi32, #tpu.memory_space<vmem>>
    %dma_start3A_173 = tpu.memref_slice %arg2[%select_n3A_158, %mul3A_163] : memref<200x16384xi32, #tpu.memory_space<hbm>> -> memref<1x512xi32, #tpu.memory_space<hbm>>
    %dma_start3A_174 = tpu.memref_squeeze %dma_start3A_173 : memref<1x512xi32, #tpu.memory_space<hbm>> -> memref<512xi32, #tpu.memory_space<hbm>>
    tpu.enqueue_dma source(%dma_start3A_174 : memref<512xi32, #tpu.memory_space<hbm>>) target(%dma_start3A_172 : memref<512xi32, #tpu.memory_space<vmem>>) target_semaphore(%arg8 : memref<!tpu.dma_semaphore, #tpu.memory_space<semaphore_mem>>)
    %scan3A = arith.constant 0 : i32
    %scan3A_175 = arith.constant 0 : i32
    %scan3A_176 = arith.constant 200 : i32
    %scan3A_177 = arith.addi %scan3A_175, %scan3A_176 : i32
    %scan3A_178 = arith.constant 1 : i32
    scf.for %scan3A_440 = %scan3A_175 to %scan3A_177 step %scan3A_178  : i32 {
      %rem3A_441 = arith.constant 2 : i32
      %rem3A_442 = arith.remsi %scan3A_440, %rem3A_441 : i32
      %sub3A_443 = arith.constant 1 : i32
      %sub3A_444 = arith.subi %sub3A_443, %rem3A_442 : i32
      %rem3A_445 = arith.constant 4 : i32
      %rem3A_446 = arith.remsi %scan3A_440, %rem3A_445 : i32
      %dma_wait3A_447 = arith.constant 0 : i32
      %dma_wait3A_448 = arith.constant 0 : i32
      %dma_wait3A_449 = tpu.memref_slice %arg6[%rem3A_442, %dma_wait3A_447, %dma_wait3A_448] : memref<2x512x64xf32, #tpu.memory_space<vmem>> -> memref<1x512x64xf32, #tpu.memory_space<vmem>>
      %dma_wait3A_450 = tpu.memref_squeeze %dma_wait3A_449 : memref<1x512x64xf32, #tpu.memory_space<vmem>> -> memref<512x64xf32, #tpu.memory_space<vmem>>
      %dma_wait3A_451 = arith.constant 0 : i32
      %dma_wait3A_452 = tpu.memref_slice %arg5[%rem3A_446, %dma_wait3A_451] : memref<4x512xi32, #tpu.memory_space<vmem>> -> memref<1x512xi32, #tpu.memory_space<vmem>>
      %dma_wait3A_453 = tpu.memref_squeeze %dma_wait3A_452 : memref<1x512xi32, #tpu.memory_space<vmem>> -> memref<512xi32, #tpu.memory_space<vmem>>
      %dma_wait3A_454 = arith.constant 0 : i32
      %dma_wait3A_455 = arith.constant 0 : i32
      %dma_wait3A_456 = tpu.memref_slice %arg3[%dma_wait3A_454, %dma_wait3A_455] : memref<1000000x64xf32, #tpu.memory_space<hbm>> -> memref<1000000x64xf32, #tpu.memory_space<hbm>>
      tpu.wait_indirect_dma semaphore(%arg9 : memref<!tpu.dma_semaphore, #tpu.memory_space<semaphore_mem>>) src(%dma_wait3A_456 : memref<1000000x64xf32, #tpu.memory_space<hbm>>) dst(%dma_wait3A_450 : memref<512x64xf32, #tpu.memory_space<vmem>>)
      %add3A_457 = arith.constant 1 : i32
      %add3A_458 = arith.addi %scan3A_440, %add3A_457 : i32
      %lt3A = arith.constant 200 : i32
      %lt3A_459 = arith.cmpi slt, %add3A_458, %lt3A : i32
      %convert_element_type3A = arith.extui %lt3A_459 : i1 to i32
      %cond3A = arith.constant 0 : i32
      %cond3A_460 = arith.cmpi ne, %convert_element_type3A, %cond3A : i32
      scf.if %cond3A_460 {
        %add3A_474 = arith.constant 1 : i32
        %add3A_475 = arith.addi %scan3A_440, %add3A_474 : i32
        %add3A_476 = arith.constant 1 : i32
        %add3A_477 = arith.addi %scan3A_440, %add3A_476 : i32
        %rem3A_478 = arith.constant 4 : i32
        %rem3A_479 = arith.remsi %add3A_477, %rem3A_478 : i32
        %mul3A_480 = arith.constant 4 : i32
        %mul3A_481 = arith.muli %add3A_475, %mul3A_480 : i32
        %add3A_482 = arith.addi %mul3A_2, %mul3A_481 : i32
        %jit3A_483 = arith.constant 128 : i32
        %div3A_484 = arith.divsi %add3A_482, %jit3A_483 : i32
        %sign3A_485 = arith.constant 0 : i32
        %sign3A_486 = arith.cmpi sgt, %add3A_482, %sign3A_485 : i32
        %sign3A_487 = arith.extui %sign3A_486 : i1 to i32
        %sign3A_488 = arith.constant 0 : i32
        %sign3A_489 = arith.cmpi slt, %add3A_482, %sign3A_488 : i32
        %sign3A_490 = arith.extui %sign3A_489 : i1 to i32
        %sign3A_491 = arith.subi %sign3A_487, %sign3A_490 : i32
        %sign3A_492 = arith.constant 0 : i32
        %sign3A_493 = arith.cmpi sgt, %jit3A_483, %sign3A_492 : i32
        %sign3A_494 = arith.extui %sign3A_493 : i1 to i32
        %sign3A_495 = arith.constant 0 : i32
        %sign3A_496 = arith.cmpi slt, %jit3A_483, %sign3A_495 : i32
        %sign3A_497 = arith.extui %sign3A_496 : i1 to i32
        %sign3A_498 = arith.subi %sign3A_494, %sign3A_497 : i32
        %ne3A_499 = arith.cmpi ne, %sign3A_491, %sign3A_498 : i32
        %rem3A_500 = arith.remsi %add3A_482, %jit3A_483 : i32
        %ne3A_501 = arith.constant 0 : i32
        %ne3A_502 = arith.cmpi ne, %rem3A_500, %ne3A_501 : i32
        %and3A_503 = arith.andi %ne3A_499, %ne3A_502 : i1
        %sub3A_504 = arith.constant 1 : i32
        %sub3A_505 = arith.subi %div3A_484, %sub3A_504 : i32
        %select_n3A_506 = arith.select %and3A_503, %sub3A_505, %div3A_484 : i32
        %mul3A_507 = arith.constant 128 : i32
        %mul3A_508 = arith.muli %select_n3A_506, %mul3A_507 : i32
        %sub3A_509 = arith.subi %add3A_482, %mul3A_508 : i32
        %mul3A_510 = arith.constant 128 : i32
        %mul3A_511 = arith.muli %sub3A_509, %mul3A_510 : i32
        %dma_wait3A_512 = arith.constant 0 : i32
        %dma_wait3A_513 = tpu.memref_slice %arg5[%rem3A_479, %dma_wait3A_512] : memref<4x512xi32, #tpu.memory_space<vmem>> -> memref<1x512xi32, #tpu.memory_space<vmem>>
        %dma_wait3A_514 = tpu.memref_squeeze %dma_wait3A_513 : memref<1x512xi32, #tpu.memory_space<vmem>> -> memref<512xi32, #tpu.memory_space<vmem>>
        %dma_wait3A_515 = tpu.memref_slice %arg2[%select_n3A_506, %mul3A_511] : memref<200x16384xi32, #tpu.memory_space<hbm>> -> memref<1x512xi32, #tpu.memory_space<hbm>>
        %dma_wait3A_516 = tpu.memref_squeeze %dma_wait3A_515 : memref<1x512xi32, #tpu.memory_space<hbm>> -> memref<512xi32, #tpu.memory_space<hbm>>
        %dma_wait3A_517 = arith.constant 0 : i32
        %dma_wait3A_518 = tpu.memref_slice %arg5[%rem3A_479, %dma_wait3A_517] : memref<4x512xi32, #tpu.memory_space<vmem>> -> memref<1x512xi32, #tpu.memory_space<vmem>>
        %dma_wait3A_519 = tpu.memref_squeeze %dma_wait3A_518 : memref<1x512xi32, #tpu.memory_space<vmem>> -> memref<512xi32, #tpu.memory_space<vmem>>
        %dma_wait3A_520 = tpu.memref_slice %arg2[%select_n3A_506, %mul3A_511] : memref<200x16384xi32, #tpu.memory_space<hbm>> -> memref<1x512xi32, #tpu.memory_space<hbm>>
        %dma_wait3A_521 = tpu.memref_squeeze %dma_wait3A_520 : memref<1x512xi32, #tpu.memory_space<hbm>> -> memref<512xi32, #tpu.memory_space<hbm>>
        tpu.wait_dma2 semaphore(%arg8 : memref<!tpu.dma_semaphore, #tpu.memory_space<semaphore_mem>>) src(%dma_wait3A_521 : memref<512xi32, #tpu.memory_space<hbm>>) dst(%dma_wait3A_519 : memref<512xi32, #tpu.memory_space<vmem>>)
        %add3A_522 = arith.constant 1 : i32
        %add3A_523 = arith.addi %scan3A_440, %add3A_522 : i32
        %rem3A_524 = arith.constant 4 : i32
        %rem3A_525 = arith.remsi %add3A_523, %rem3A_524 : i32
        %dma_start3A_526 = arith.constant 0 : i32
        %dma_start3A_527 = arith.constant 0 : i32
        %dma_start3A_528 = tpu.memref_slice %arg6[%sub3A_444, %dma_start3A_526, %dma_start3A_527] : memref<2x512x64xf32, #tpu.memory_space<vmem>> -> memref<1x512x64xf32, #tpu.memory_space<vmem>>
        %dma_start3A_529 = tpu.memref_squeeze %dma_start3A_528 : memref<1x512x64xf32, #tpu.memory_space<vmem>> -> memref<512x64xf32, #tpu.memory_space<vmem>>
        %dma_start3A_530 = arith.constant 0 : i32
        %dma_start3A_531 = tpu.memref_slice %arg5[%rem3A_525, %dma_start3A_530] : memref<4x512xi32, #tpu.memory_space<vmem>> -> memref<1x512xi32, #tpu.memory_space<vmem>>
        %dma_start3A_532 = tpu.memref_squeeze %dma_start3A_531 : memref<1x512xi32, #tpu.memory_space<vmem>> -> memref<512xi32, #tpu.memory_space<vmem>>
        %dma_start3A_533 = arith.constant 0 : i32
        %dma_start3A_534 = arith.constant 0 : i32
        %dma_start3A_535 = tpu.memref_slice %arg3[%dma_start3A_533, %dma_start3A_534] : memref<1000000x64xf32, #tpu.memory_space<hbm>> -> memref<1000000x64xf32, #tpu.memory_space<hbm>>
        tpu.enqueue_indirect_dma source(%dma_start3A_535 : memref<1000000x64xf32, #tpu.memory_space<hbm>>) target(%dma_start3A_529 : memref<512x64xf32, #tpu.memory_space<vmem>>) offsets(%dma_start3A_532 : memref<512xi32, #tpu.memory_space<vmem>>) semaphore(%arg9 : memref<!tpu.dma_semaphore, #tpu.memory_space<semaphore_mem>>)
      } else {
      }
      %add3A_461 = arith.constant 3 : i32
      %add3A_462 = arith.addi %scan3A_440, %add3A_461 : i32
      %lt3A_463 = arith.constant 200 : i32
      %lt3A_464 = arith.cmpi slt, %add3A_462, %lt3A_463 : i32
      %convert_element_type3A_465 = arith.extui %lt3A_464 : i1 to i32
      %cond3A_466 = arith.constant 0 : i32
      %cond3A_467 = arith.cmpi ne, %convert_element_type3A_465, %cond3A_466 : i32
      scf.if %cond3A_467 {
        %add3A_474 = arith.constant 3 : i32
        %add3A_475 = arith.addi %scan3A_440, %add3A_474 : i32
        %add3A_476 = arith.constant 3 : i32
        %add3A_477 = arith.addi %scan3A_440, %add3A_476 : i32
        %rem3A_478 = arith.constant 4 : i32
        %rem3A_479 = arith.remsi %add3A_477, %rem3A_478 : i32
        %mul3A_480 = arith.constant 4 : i32
        %mul3A_481 = arith.muli %add3A_475, %mul3A_480 : i32
        %add3A_482 = arith.addi %mul3A_2, %mul3A_481 : i32
        %jit3A_483 = arith.constant 128 : i32
        %div3A_484 = arith.divsi %add3A_482, %jit3A_483 : i32
        %sign3A_485 = arith.constant 0 : i32
        %sign3A_486 = arith.cmpi sgt, %add3A_482, %sign3A_485 : i32
        %sign3A_487 = arith.extui %sign3A_486 : i1 to i32
        %sign3A_488 = arith.constant 0 : i32
        %sign3A_489 = arith.cmpi slt, %add3A_482, %sign3A_488 : i32
        %sign3A_490 = arith.extui %sign3A_489 : i1 to i32
        %sign3A_491 = arith.subi %sign3A_487, %sign3A_490 : i32
        %sign3A_492 = arith.constant 0 : i32
        %sign3A_493 = arith.cmpi sgt, %jit3A_483, %sign3A_492 : i32
        %sign3A_494 = arith.extui %sign3A_493 : i1 to i32
        %sign3A_495 = arith.constant 0 : i32
        %sign3A_496 = arith.cmpi slt, %jit3A_483, %sign3A_495 : i32
        %sign3A_497 = arith.extui %sign3A_496 : i1 to i32
        %sign3A_498 = arith.subi %sign3A_494, %sign3A_497 : i32
        %ne3A_499 = arith.cmpi ne, %sign3A_491, %sign3A_498 : i32
        %rem3A_500 = arith.remsi %add3A_482, %jit3A_483 : i32
        %ne3A_501 = arith.constant 0 : i32
        %ne3A_502 = arith.cmpi ne, %rem3A_500, %ne3A_501 : i32
        %and3A_503 = arith.andi %ne3A_499, %ne3A_502 : i1
        %sub3A_504 = arith.constant 1 : i32
        %sub3A_505 = arith.subi %div3A_484, %sub3A_504 : i32
        %select_n3A_506 = arith.select %and3A_503, %sub3A_505, %div3A_484 : i32
        %mul3A_507 = arith.constant 128 : i32
        %mul3A_508 = arith.muli %select_n3A_506, %mul3A_507 : i32
        %sub3A_509 = arith.subi %add3A_482, %mul3A_508 : i32
        %mul3A_510 = arith.constant 128 : i32
        %mul3A_511 = arith.muli %sub3A_509, %mul3A_510 : i32
        %dma_start3A_512 = arith.constant 0 : i32
        %dma_start3A_513 = tpu.memref_slice %arg5[%rem3A_479, %dma_start3A_512] : memref<4x512xi32, #tpu.memory_space<vmem>> -> memref<1x512xi32, #tpu.memory_space<vmem>>
        %dma_start3A_514 = tpu.memref_squeeze %dma_start3A_513 : memref<1x512xi32, #tpu.memory_space<vmem>> -> memref<512xi32, #tpu.memory_space<vmem>>
        %dma_start3A_515 = tpu.memref_slice %arg2[%select_n3A_506, %mul3A_511] : memref<200x16384xi32, #tpu.memory_space<hbm>> -> memref<1x512xi32, #tpu.memory_space<hbm>>
        %dma_start3A_516 = tpu.memref_squeeze %dma_start3A_515 : memref<1x512xi32, #tpu.memory_space<hbm>> -> memref<512xi32, #tpu.memory_space<hbm>>
        %dma_start3A_517 = arith.constant 0 : i32
        %dma_start3A_518 = tpu.memref_slice %arg5[%rem3A_479, %dma_start3A_517] : memref<4x512xi32, #tpu.memory_space<vmem>> -> memref<1x512xi32, #tpu.memory_space<vmem>>
        %dma_start3A_519 = tpu.memref_squeeze %dma_start3A_518 : memref<1x512xi32, #tpu.memory_space<vmem>> -> memref<512xi32, #tpu.memory_space<vmem>>
        %dma_start3A_520 = tpu.memref_slice %arg2[%select_n3A_506, %mul3A_511] : memref<200x16384xi32, #tpu.memory_space<hbm>> -> memref<1x512xi32, #tpu.memory_space<hbm>>
        %dma_start3A_521 = tpu.memref_squeeze %dma_start3A_520 : memref<1x512xi32, #tpu.memory_space<hbm>> -> memref<512xi32, #tpu.memory_space<hbm>>
        tpu.enqueue_dma source(%dma_start3A_521 : memref<512xi32, #tpu.memory_space<hbm>>) target(%dma_start3A_519 : memref<512xi32, #tpu.memory_space<vmem>>) target_semaphore(%arg8 : memref<!tpu.dma_semaphore, #tpu.memory_space<semaphore_mem>>)
      } else {
      }
      %scan3A_468 = arith.constant 0 : i32
      %scan3A_469 = arith.constant 0 : i32
      %scan3A_470 = arith.constant 4 : i32
      %scan3A_471 = arith.addi %scan3A_469, %scan3A_470 : i32
      %scan3A_472 = arith.constant 1 : i32
      scf.for %scan3A_474 = %scan3A_469 to %scan3A_471 step %scan3A_472  : i32 {
        %mul3A_475 = arith.constant 4 : i32
        %mul3A_476 = arith.muli %scan3A_440, %mul3A_475 : i32
        %add3A_477 = arith.addi %mul3A_476, %scan3A_474 : i32
        %rem3A_478 = arith.constant 5 : i32
        %rem3A_479 = arith.remsi %add3A_477, %rem3A_478 : i32
        %ge3A = arith.constant 5 : i32
        %ge3A_480 = arith.cmpi sge, %add3A_477, %ge3A : i32
        %convert_element_type3A_481 = arith.extui %ge3A_480 : i1 to i32
        %cond3A_482 = arith.constant 0 : i32
        %cond3A_483 = arith.cmpi ne, %convert_element_type3A_481, %cond3A_482 : i32
        scf.if %cond3A_483 {
          %sub3A_540 = arith.constant 5 : i32
          %sub3A_541 = arith.subi %add3A_477, %sub3A_540 : i32
          %add3A_542 = arith.addi %mul3A_2, %sub3A_541 : i32
          %jit3A_543 = arith.constant 128 : i32
          %div3A_544 = arith.divsi %add3A_542, %jit3A_543 : i32
          %sign3A_545 = arith.constant 0 : i32
          %sign3A_546 = arith.cmpi sgt, %add3A_542, %sign3A_545 : i32
          %sign3A_547 = arith.extui %sign3A_546 : i1 to i32
          %sign3A_548 = arith.constant 0 : i32
          %sign3A_549 = arith.cmpi slt, %add3A_542, %sign3A_548 : i32
          %sign3A_550 = arith.extui %sign3A_549 : i1 to i32
          %sign3A_551 = arith.subi %sign3A_547, %sign3A_550 : i32
          %sign3A_552 = arith.constant 0 : i32
          %sign3A_553 = arith.cmpi sgt, %jit3A_543, %sign3A_552 : i32
          %sign3A_554 = arith.extui %sign3A_553 : i1 to i32
          %sign3A_555 = arith.constant 0 : i32
          %sign3A_556 = arith.cmpi slt, %jit3A_543, %sign3A_555 : i32
          %sign3A_557 = arith.extui %sign3A_556 : i1 to i32
          %sign3A_558 = arith.subi %sign3A_554, %sign3A_557 : i32
          %ne3A_559 = arith.cmpi ne, %sign3A_551, %sign3A_558 : i32
          %rem3A_560 = arith.remsi %add3A_542, %jit3A_543 : i32
          %ne3A_561 = arith.constant 0 : i32
          %ne3A_562 = arith.cmpi ne, %rem3A_560, %ne3A_561 : i32
          %and3A_563 = arith.andi %ne3A_559, %ne3A_562 : i1
          %sub3A_564 = arith.constant 1 : i32
          %sub3A_565 = arith.subi %div3A_544, %sub3A_564 : i32
          %select_n3A_566 = arith.select %and3A_563, %sub3A_565, %div3A_544 : i32
          %mul3A_567 = arith.constant 128 : i32
          %mul3A_568 = arith.muli %select_n3A_566, %mul3A_567 : i32
          %sub3A_569 = arith.subi %add3A_542, %mul3A_568 : i32
          %dma_wait3A_570 = arith.constant 0 : i32
          %dma_wait3A_571 = arith.constant 0 : i32
          %dma_wait3A_572 = arith.constant 0 : i32
          %dma_wait3A_573 = tpu.memref_slice %arg7[%rem3A_479, %dma_wait3A_570, %dma_wait3A_571, %dma_wait3A_572] : memref<5x8x8x128xf32, #tpu.memory_space<vmem>> -> memref<1x8x8x128xf32, #tpu.memory_space<vmem>>
          %dma_wait3A_574 = tpu.memref_squeeze %dma_wait3A_573 : memref<1x8x8x128xf32, #tpu.memory_space<vmem>> -> memref<8x8x128xf32, #tpu.memory_space<vmem>>
          %dma_wait3A_575 = arith.constant 0 : i32
          %dma_wait3A_576 = arith.constant 0 : i32
          %dma_wait3A_577 = arith.constant 0 : i32
          %dma_wait3A_578 = tpu.memref_slice %arg4[%select_n3A_566, %dma_wait3A_575, %sub3A_569, %dma_wait3A_576, %dma_wait3A_577] : memref<200x8x128x8x128xf32, #tpu.memory_space<hbm>> -> memref<1x8x1x8x128xf32, #tpu.memory_space<hbm>>
          %dma_wait3A_579 = tpu.memref_squeeze %dma_wait3A_578 : memref<1x8x1x8x128xf32, #tpu.memory_space<hbm>> -> memref<8x8x128xf32, #tpu.memory_space<hbm>>
          %dma_wait3A_580 = arith.constant 0 : i32
          %dma_wait3A_581 = arith.constant 0 : i32
          %dma_wait3A_582 = arith.constant 0 : i32
          %dma_wait3A_583 = tpu.memref_slice %arg4[%select_n3A_566, %dma_wait3A_580, %sub3A_569, %dma_wait3A_581, %dma_wait3A_582] : memref<200x8x128x8x128xf32, #tpu.memory_space<hbm>> -> memref<1x8x1x8x128xf32, #tpu.memory_space<hbm>>
          %dma_wait3A_584 = tpu.memref_squeeze %dma_wait3A_583 : memref<1x8x1x8x128xf32, #tpu.memory_space<hbm>> -> memref<8x8x128xf32, #tpu.memory_space<hbm>>
          %dma_wait3A_585 = arith.constant 0 : i32
          %dma_wait3A_586 = arith.constant 0 : i32
          %dma_wait3A_587 = arith.constant 0 : i32
          %dma_wait3A_588 = tpu.memref_slice %arg7[%rem3A_479, %dma_wait3A_585, %dma_wait3A_586, %dma_wait3A_587] : memref<5x8x8x128xf32, #tpu.memory_space<vmem>> -> memref<1x8x8x128xf32, #tpu.memory_space<vmem>>
          %dma_wait3A_589 = tpu.memref_squeeze %dma_wait3A_588 : memref<1x8x8x128xf32, #tpu.memory_space<vmem>> -> memref<8x8x128xf32, #tpu.memory_space<vmem>>
          tpu.wait_dma2 semaphore(%arg10 : memref<!tpu.dma_semaphore, #tpu.memory_space<semaphore_mem>>) src(%dma_wait3A_589 : memref<8x8x128xf32, #tpu.memory_space<vmem>>) dst(%dma_wait3A_584 : memref<8x8x128xf32, #tpu.memory_space<hbm>>)
        } else {
        }
        %mul3A_484 = arith.constant 128 : i32
        %mul3A_485 = arith.muli %scan3A_474, %mul3A_484 : i32
        %scan3A_486 = arith.constant 0 : i32
        %scan3A_487 = arith.constant 0 : i32
        %scan3A_488 = arith.constant 16 : i32
        %scan3A_489 = arith.addi %scan3A_487, %scan3A_488 : i32
        %scan3A_490 = arith.constant 1 : i32
        scf.for %scan3A_540 = %scan3A_487 to %scan3A_489 step %scan3A_490  : i32 {
          %xor3A = vector.broadcast %scan3A_540 : i32 to vector<16xi32>
          %xor3A_541 = arith.xori %iota3A, %xor3A : vector<16xi32>
          %add3A_542 = arith.constant 0 : i32
          %add3A_543 = vector.broadcast %add3A_542 : i32 to vector<16xi32>
          %add3A_544 = arith.addi %add3A_543, %xor3A_541 : vector<16xi32>
          %shift_right_logical3A = arith.constant 3 : i32
          %shift_right_logical3A_545 = vector.broadcast %shift_right_logical3A : i32 to vector<16xi32>
          %shift_right_logical3A_546 = arith.shrui %add3A_544, %shift_right_logical3A_545 : vector<16xi32>
          %and3A_547 = arith.constant 7 : i32
          %and3A_548 = vector.broadcast %and3A_547 : i32 to vector<16xi32>
          %and3A_549 = arith.andi %add3A_544, %and3A_548 : vector<16xi32>
          %add3A_550 = arith.constant 0 : i32
          %add3A_551 = arith.addi %mul3A_485, %add3A_550 : i32
          %add3A_552 = vector.broadcast %add3A_551 : i32 to vector<16xi32>
          %add3A_553 = arith.addi %add3A_552, %iota3A : vector<16xi32>
          %gather3A = arith.constant 0 : i32
          %gather3A_554 = arith.constant 0 : i32
          %gather3A_555 = tpu.memref_slice %arg6[%rem3A_442, %gather3A, %gather3A_554] : memref<2x512x64xf32, #tpu.memory_space<vmem>> -> memref<1x512x64xf32, #tpu.memory_space<vmem>>
          %gather3A_556 = tpu.memref_squeeze %gather3A_555 : memref<1x512x64xf32, #tpu.memory_space<vmem>> -> memref<512x64xf32, #tpu.memory_space<vmem>>
          %gather3A_557 = tpu.vector_load_idx %gather3A_556[%add3A_553, %add3A_544] : memref<512x64xf32, #tpu.memory_space<vmem>>[vector<16xi32>, vector<16xi32>], vector<16xf32>,
          %add3A_558 = arith.constant 16 : i32
          %add3A_559 = arith.addi %mul3A_485, %add3A_558 : i32
          %add3A_560 = vector.broadcast %add3A_559 : i32 to vector<16xi32>
          %add3A_561 = arith.addi %add3A_560, %iota3A : vector<16xi32>
          %gather3A_562 = arith.constant 0 : i32
          %gather3A_563 = arith.constant 0 : i32
          %gather3A_564 = tpu.memref_slice %arg6[%rem3A_442, %gather3A_562, %gather3A_563] : memref<2x512x64xf32, #tpu.memory_space<vmem>> -> memref<1x512x64xf32, #tpu.memory_space<vmem>>
          %gather3A_565 = tpu.memref_squeeze %gather3A_564 : memref<1x512x64xf32, #tpu.memory_space<vmem>> -> memref<512x64xf32, #tpu.memory_space<vmem>>
          %gather3A_566 = tpu.vector_load_idx %gather3A_565[%add3A_561, %add3A_544] : memref<512x64xf32, #tpu.memory_space<vmem>>[vector<16xi32>, vector<16xi32>], vector<16xf32>,
          %add3A_567 = arith.constant 32 : i32
          %add3A_568 = arith.addi %mul3A_485, %add3A_567 : i32
          %add3A_569 = vector.broadcast %add3A_568 : i32 to vector<16xi32>
          %add3A_570 = arith.addi %add3A_569, %iota3A : vector<16xi32>
          %gather3A_571 = arith.constant 0 : i32
          %gather3A_572 = arith.constant 0 : i32
          %gather3A_573 = tpu.memref_slice %arg6[%rem3A_442, %gather3A_571, %gather3A_572] : memref<2x512x64xf32, #tpu.memory_space<vmem>> -> memref<1x512x64xf32, #tpu.memory_space<vmem>>
          %gather3A_574 = tpu.memref_squeeze %gather3A_573 : memref<1x512x64xf32, #tpu.memory_space<vmem>> -> memref<512x64xf32, #tpu.memory_space<vmem>>
          %gather3A_575 = tpu.vector_load_idx %gather3A_574[%add3A_570, %add3A_544] : memref<512x64xf32, #tpu.memory_space<vmem>>[vector<16xi32>, vector<16xi32>], vector<16xf32>,
          %add3A_576 = arith.constant 48 : i32
          %add3A_577 = arith.addi %mul3A_485, %add3A_576 : i32
          %add3A_578 = vector.broadcast %add3A_577 : i32 to vector<16xi32>
          %add3A_579 = arith.addi %add3A_578, %iota3A : vector<16xi32>
          %gather3A_580 = arith.constant 0 : i32
          %gather3A_581 = arith.constant 0 : i32
          %gather3A_582 = tpu.memref_slice %arg6[%rem3A_442, %gather3A_580, %gather3A_581] : memref<2x512x64xf32, #tpu.memory_space<vmem>> -> memref<1x512x64xf32, #tpu.memory_space<vmem>>
          %gather3A_583 = tpu.memref_squeeze %gather3A_582 : memref<1x512x64xf32, #tpu.memory_space<vmem>> -> memref<512x64xf32, #tpu.memory_space<vmem>>
          %gather3A_584 = tpu.vector_load_idx %gather3A_583[%add3A_579, %add3A_544] : memref<512x64xf32, #tpu.memory_space<vmem>>[vector<16xi32>, vector<16xi32>], vector<16xf32>,
          %add3A_585 = arith.constant 64 : i32
          %add3A_586 = arith.addi %mul3A_485, %add3A_585 : i32
          %add3A_587 = vector.broadcast %add3A_586 : i32 to vector<16xi32>
          %add3A_588 = arith.addi %add3A_587, %iota3A : vector<16xi32>
          %gather3A_589 = arith.constant 0 : i32
          %gather3A_590 = arith.constant 0 : i32
          %gather3A_591 = tpu.memref_slice %arg6[%rem3A_442, %gather3A_589, %gather3A_590] : memref<2x512x64xf32, #tpu.memory_space<vmem>> -> memref<1x512x64xf32, #tpu.memory_space<vmem>>
          %gather3A_592 = tpu.memref_squeeze %gather3A_591 : memref<1x512x64xf32, #tpu.memory_space<vmem>> -> memref<512x64xf32, #tpu.memory_space<vmem>>
          %gather3A_593 = tpu.vector_load_idx %gather3A_592[%add3A_588, %add3A_544] : memref<512x64xf32, #tpu.memory_space<vmem>>[vector<16xi32>, vector<16xi32>], vector<16xf32>,
          %add3A_594 = arith.constant 80 : i32
          %add3A_595 = arith.addi %mul3A_485, %add3A_594 : i32
          %add3A_596 = vector.broadcast %add3A_595 : i32 to vector<16xi32>
          %add3A_597 = arith.addi %add3A_596, %iota3A : vector<16xi32>
          %gather3A_598 = arith.constant 0 : i32
          %gather3A_599 = arith.constant 0 : i32
          %gather3A_600 = tpu.memref_slice %arg6[%rem3A_442, %gather3A_598, %gather3A_599] : memref<2x512x64xf32, #tpu.memory_space<vmem>> -> memref<1x512x64xf32, #tpu.memory_space<vmem>>
          %gather3A_601 = tpu.memref_squeeze %gather3A_600 : memref<1x512x64xf32, #tpu.memory_space<vmem>> -> memref<512x64xf32, #tpu.memory_space<vmem>>
          %gather3A_602 = tpu.vector_load_idx %gather3A_601[%add3A_597, %add3A_544] : memref<512x64xf32, #tpu.memory_space<vmem>>[vector<16xi32>, vector<16xi32>], vector<16xf32>,
          %add3A_603 = arith.constant 96 : i32
          %add3A_604 = arith.addi %mul3A_485, %add3A_603 : i32
          %add3A_605 = vector.broadcast %add3A_604 : i32 to vector<16xi32>
          %add3A_606 = arith.addi %add3A_605, %iota3A : vector<16xi32>
          %gather3A_607 = arith.constant 0 : i32
          %gather3A_608 = arith.constant 0 : i32
          %gather3A_609 = tpu.memref_slice %arg6[%rem3A_442, %gather3A_607, %gather3A_608] : memref<2x512x64xf32, #tpu.memory_space<vmem>> -> memref<1x512x64xf32, #tpu.memory_space<vmem>>
          %gather3A_610 = tpu.memref_squeeze %gather3A_609 : memref<1x512x64xf32, #tpu.memory_space<vmem>> -> memref<512x64xf32, #tpu.memory_space<vmem>>
          %gather3A_611 = tpu.vector_load_idx %gather3A_610[%add3A_606, %add3A_544] : memref<512x64xf32, #tpu.memory_space<vmem>>[vector<16xi32>, vector<16xi32>], vector<16xf32>,
          %add3A_612 = arith.constant 112 : i32
          %add3A_613 = arith.addi %mul3A_485, %add3A_612 : i32
          %add3A_614 = vector.broadcast %add3A_613 : i32 to vector<16xi32>
          %add3A_615 = arith.addi %add3A_614, %iota3A : vector<16xi32>
          %gather3A_616 = arith.constant 0 : i32
          %gather3A_617 = arith.constant 0 : i32
          %gather3A_618 = tpu.memref_slice %arg6[%rem3A_442, %gather3A_616, %gather3A_617] : memref<2x512x64xf32, #tpu.memory_space<vmem>> -> memref<1x512x64xf32, #tpu.memory_space<vmem>>
          %gather3A_619 = tpu.memref_squeeze %gather3A_618 : memref<1x512x64xf32, #tpu.memory_space<vmem>> -> memref<512x64xf32, #tpu.memory_space<vmem>>
          %gather3A_620 = tpu.vector_load_idx %gather3A_619[%add3A_615, %add3A_544] : memref<512x64xf32, #tpu.memory_space<vmem>>[vector<16xi32>, vector<16xi32>], vector<16xf32>,
          %add3A_621 = arith.constant 0 : i32
          %add3A_622 = vector.broadcast %add3A_621 : i32 to vector<16xi32>
          %add3A_623 = arith.addi %add3A_622, %iota3A : vector<16xi32>
          %scatter3A = arith.constant 0 : i32
          %scatter3A_624 = arith.constant 0 : i32
          %scatter3A_625 = arith.constant 0 : i32
          %scatter3A_626 = tpu.memref_slice %arg7[%rem3A_479, %scatter3A, %scatter3A_624, %scatter3A_625] : memref<5x8x8x128xf32, #tpu.memory_space<vmem>> -> memref<1x8x8x128xf32, #tpu.memory_space<vmem>>
          %scatter3A_627 = tpu.memref_squeeze %scatter3A_626 : memref<1x8x8x128xf32, #tpu.memory_space<vmem>> -> memref<8x8x128xf32, #tpu.memory_space<vmem>>
          tpu.vector_store_idx %scatter3A_627[%shift_right_logical3A_546, %and3A_549, %add3A_623], %gather3A_557 : memref<8x8x128xf32, #tpu.memory_space<vmem>>[vector<16xi32>, vector<16xi32>, vector<16xi32>], vector<16xf32>,
          %add3A_628 = arith.constant 16 : i32
          %add3A_629 = vector.broadcast %add3A_628 : i32 to vector<16xi32>
          %add3A_630 = arith.addi %add3A_629, %iota3A : vector<16xi32>
          %scatter3A_631 = arith.constant 0 : i32
          %scatter3A_632 = arith.constant 0 : i32
          %scatter3A_633 = arith.constant 0 : i32
          %scatter3A_634 = tpu.memref_slice %arg7[%rem3A_479, %scatter3A_631, %scatter3A_632, %scatter3A_633] : memref<5x8x8x128xf32, #tpu.memory_space<vmem>> -> memref<1x8x8x128xf32, #tpu.memory_space<vmem>>
          %scatter3A_635 = tpu.memref_squeeze %scatter3A_634 : memref<1x8x8x128xf32, #tpu.memory_space<vmem>> -> memref<8x8x128xf32, #tpu.memory_space<vmem>>
          tpu.vector_store_idx %scatter3A_635[%shift_right_logical3A_546, %and3A_549, %add3A_630], %gather3A_566 : memref<8x8x128xf32, #tpu.memory_space<vmem>>[vector<16xi32>, vector<16xi32>, vector<16xi32>], vector<16xf32>,
          %add3A_636 = arith.constant 32 : i32
          %add3A_637 = vector.broadcast %add3A_636 : i32 to vector<16xi32>
          %add3A_638 = arith.addi %add3A_637, %iota3A : vector<16xi32>
          %scatter3A_639 = arith.constant 0 : i32
          %scatter3A_640 = arith.constant 0 : i32
          %scatter3A_641 = arith.constant 0 : i32
          %scatter3A_642 = tpu.memref_slice %arg7[%rem3A_479, %scatter3A_639, %scatter3A_640, %scatter3A_641] : memref<5x8x8x128xf32, #tpu.memory_space<vmem>> -> memref<1x8x8x128xf32, #tpu.memory_space<vmem>>
          %scatter3A_643 = tpu.memref_squeeze %scatter3A_642 : memref<1x8x8x128xf32, #tpu.memory_space<vmem>> -> memref<8x8x128xf32, #tpu.memory_space<vmem>>
          tpu.vector_store_idx %scatter3A_643[%shift_right_logical3A_546, %and3A_549, %add3A_638], %gather3A_575 : memref<8x8x128xf32, #tpu.memory_space<vmem>>[vector<16xi32>, vector<16xi32>, vector<16xi32>], vector<16xf32>,
          %add3A_644 = arith.constant 48 : i32
          %add3A_645 = vector.broadcast %add3A_644 : i32 to vector<16xi32>
          %add3A_646 = arith.addi %add3A_645, %iota3A : vector<16xi32>
          %scatter3A_647 = arith.constant 0 : i32
          %scatter3A_648 = arith.constant 0 : i32
          %scatter3A_649 = arith.constant 0 : i32
          %scatter3A_650 = tpu.memref_slice %arg7[%rem3A_479, %scatter3A_647, %scatter3A_648, %scatter3A_649] : memref<5x8x8x128xf32, #tpu.memory_space<vmem>> -> memref<1x8x8x128xf32, #tpu.memory_space<vmem>>
          %scatter3A_651 = tpu.memref_squeeze %scatter3A_650 : memref<1x8x8x128xf32, #tpu.memory_space<vmem>> -> memref<8x8x128xf32, #tpu.memory_space<vmem>>
          tpu.vector_store_idx %scatter3A_651[%shift_right_logical3A_546, %and3A_549, %add3A_646], %gather3A_584 : memref<8x8x128xf32, #tpu.memory_space<vmem>>[vector<16xi32>, vector<16xi32>, vector<16xi32>], vector<16xf32>,
          %add3A_652 = arith.constant 64 : i32
          %add3A_653 = vector.broadcast %add3A_652 : i32 to vector<16xi32>
          %add3A_654 = arith.addi %add3A_653, %iota3A : vector<16xi32>
          %scatter3A_655 = arith.constant 0 : i32
          %scatter3A_656 = arith.constant 0 : i32
          %scatter3A_657 = arith.constant 0 : i32
          %scatter3A_658 = tpu.memref_slice %arg7[%rem3A_479, %scatter3A_655, %scatter3A_656, %scatter3A_657] : memref<5x8x8x128xf32, #tpu.memory_space<vmem>> -> memref<1x8x8x128xf32, #tpu.memory_space<vmem>>
          %scatter3A_659 = tpu.memref_squeeze %scatter3A_658 : memref<1x8x8x128xf32, #tpu.memory_space<vmem>> -> memref<8x8x128xf32, #tpu.memory_space<vmem>>
          tpu.vector_store_idx %scatter3A_659[%shift_right_logical3A_546, %and3A_549, %add3A_654], %gather3A_593 : memref<8x8x128xf32, #tpu.memory_space<vmem>>[vector<16xi32>, vector<16xi32>, vector<16xi32>], vector<16xf32>,
          %add3A_660 = arith.constant 80 : i32
          %add3A_661 = vector.broadcast %add3A_660 : i32 to vector<16xi32>
          %add3A_662 = arith.addi %add3A_661, %iota3A : vector<16xi32>
          %scatter3A_663 = arith.constant 0 : i32
          %scatter3A_664 = arith.constant 0 : i32
          %scatter3A_665 = arith.constant 0 : i32
          %scatter3A_666 = tpu.memref_slice %arg7[%rem3A_479, %scatter3A_663, %scatter3A_664, %scatter3A_665] : memref<5x8x8x128xf32, #tpu.memory_space<vmem>> -> memref<1x8x8x128xf32, #tpu.memory_space<vmem>>
          %scatter3A_667 = tpu.memref_squeeze %scatter3A_666 : memref<1x8x8x128xf32, #tpu.memory_space<vmem>> -> memref<8x8x128xf32, #tpu.memory_space<vmem>>
          tpu.vector_store_idx %scatter3A_667[%shift_right_logical3A_546, %and3A_549, %add3A_662], %gather3A_602 : memref<8x8x128xf32, #tpu.memory_space<vmem>>[vector<16xi32>, vector<16xi32>, vector<16xi32>], vector<16xf32>,
          %add3A_668 = arith.constant 96 : i32
          %add3A_669 = vector.broadcast %add3A_668 : i32 to vector<16xi32>
          %add3A_670 = arith.addi %add3A_669, %iota3A : vector<16xi32>
          %scatter3A_671 = arith.constant 0 : i32
          %scatter3A_672 = arith.constant 0 : i32
          %scatter3A_673 = arith.constant 0 : i32
          %scatter3A_674 = tpu.memref_slice %arg7[%rem3A_479, %scatter3A_671, %scatter3A_672, %scatter3A_673] : memref<5x8x8x128xf32, #tpu.memory_space<vmem>> -> memref<1x8x8x128xf32, #tpu.memory_space<vmem>>
          %scatter3A_675 = tpu.memref_squeeze %scatter3A_674 : memref<1x8x8x128xf32, #tpu.memory_space<vmem>> -> memref<8x8x128xf32, #tpu.memory_space<vmem>>
          tpu.vector_store_idx %scatter3A_675[%shift_right_logical3A_546, %and3A_549, %add3A_670], %gather3A_611 : memref<8x8x128xf32, #tpu.memory_space<vmem>>[vector<16xi32>, vector<16xi32>, vector<16xi32>], vector<16xf32>,
          %add3A_676 = arith.constant 112 : i32
          %add3A_677 = vector.broadcast %add3A_676 : i32 to vector<16xi32>
          %add3A_678 = arith.addi %add3A_677, %iota3A : vector<16xi32>
          %scatter3A_679 = arith.constant 0 : i32
          %scatter3A_680 = arith.constant 0 : i32
          %scatter3A_681 = arith.constant 0 : i32
          %scatter3A_682 = tpu.memref_slice %arg7[%rem3A_479, %scatter3A_679, %scatter3A_680, %scatter3A_681] : memref<5x8x8x128xf32, #tpu.memory_space<vmem>> -> memref<1x8x8x128xf32, #tpu.memory_space<vmem>>
          %scatter3A_683 = tpu.memref_squeeze %scatter3A_682 : memref<1x8x8x128xf32, #tpu.memory_space<vmem>> -> memref<8x8x128xf32, #tpu.memory_space<vmem>>
          tpu.vector_store_idx %scatter3A_683[%shift_right_logical3A_546, %and3A_549, %add3A_678], %gather3A_620 : memref<8x8x128xf32, #tpu.memory_space<vmem>>[vector<16xi32>, vector<16xi32>, vector<16xi32>], vector<16xf32>,
          %add3A_684 = arith.constant 16 : i32
          %add3A_685 = vector.broadcast %add3A_684 : i32 to vector<16xi32>
          %add3A_686 = arith.addi %add3A_685, %xor3A_541 : vector<16xi32>
          %shift_right_logical3A_687 = arith.constant 3 : i32
          %shift_right_logical3A_688 = vector.broadcast %shift_right_logical3A_687 : i32 to vector<16xi32>
          %shift_right_logical3A_689 = arith.shrui %add3A_686, %shift_right_logical3A_688 : vector<16xi32>
          %and3A_690 = arith.constant 7 : i32
          %and3A_691 = vector.broadcast %and3A_690 : i32 to vector<16xi32>
          %and3A_692 = arith.andi %add3A_686, %and3A_691 : vector<16xi32>
          %add3A_693 = arith.constant 0 : i32
          %add3A_694 = arith.addi %mul3A_485, %add3A_693 : i32
          %add3A_695 = vector.broadcast %add3A_694 : i32 to vector<16xi32>
          %add3A_696 = arith.addi %add3A_695, %iota3A : vector<16xi32>
          %gather3A_697 = arith.constant 0 : i32
          %gather3A_698 = arith.constant 0 : i32
          %gather3A_699 = tpu.memref_slice %arg6[%rem3A_442, %gather3A_697, %gather3A_698] : memref<2x512x64xf32, #tpu.memory_space<vmem>> -> memref<1x512x64xf32, #tpu.memory_space<vmem>>
          %gather3A_700 = tpu.memref_squeeze %gather3A_699 : memref<1x512x64xf32, #tpu.memory_space<vmem>> -> memref<512x64xf32, #tpu.memory_space<vmem>>
          %gather3A_701 = tpu.vector_load_idx %gather3A_700[%add3A_696, %add3A_686] : memref<512x64xf32, #tpu.memory_space<vmem>>[vector<16xi32>, vector<16xi32>], vector<16xf32>,
          %add3A_702 = arith.constant 16 : i32
          %add3A_703 = arith.addi %mul3A_485, %add3A_702 : i32
          %add3A_704 = vector.broadcast %add3A_703 : i32 to vector<16xi32>
          %add3A_705 = arith.addi %add3A_704, %iota3A : vector<16xi32>
          %gather3A_706 = arith.constant 0 : i32
          %gather3A_707 = arith.constant 0 : i32
          %gather3A_708 = tpu.memref_slice %arg6[%rem3A_442, %gather3A_706, %gather3A_707] : memref<2x512x64xf32, #tpu.memory_space<vmem>> -> memref<1x512x64xf32, #tpu.memory_space<vmem>>
          %gather3A_709 = tpu.memref_squeeze %gather3A_708 : memref<1x512x64xf32, #tpu.memory_space<vmem>> -> memref<512x64xf32, #tpu.memory_space<vmem>>
          %gather3A_710 = tpu.vector_load_idx %gather3A_709[%add3A_705, %add3A_686] : memref<512x64xf32, #tpu.memory_space<vmem>>[vector<16xi32>, vector<16xi32>], vector<16xf32>,
          %add3A_711 = arith.constant 32 : i32
          %add3A_712 = arith.addi %mul3A_485, %add3A_711 : i32
          %add3A_713 = vector.broadcast %add3A_712 : i32 to vector<16xi32>
          %add3A_714 = arith.addi %add3A_713, %iota3A : vector<16xi32>
          %gather3A_715 = arith.constant 0 : i32
          %gather3A_716 = arith.constant 0 : i32
          %gather3A_717 = tpu.memref_slice %arg6[%rem3A_442, %gather3A_715, %gather3A_716] : memref<2x512x64xf32, #tpu.memory_space<vmem>> -> memref<1x512x64xf32, #tpu.memory_space<vmem>>
          %gather3A_718 = tpu.memref_squeeze %gather3A_717 : memref<1x512x64xf32, #tpu.memory_space<vmem>> -> memref<512x64xf32, #tpu.memory_space<vmem>>
          %gather3A_719 = tpu.vector_load_idx %gather3A_718[%add3A_714, %add3A_686] : memref<512x64xf32, #tpu.memory_space<vmem>>[vector<16xi32>, vector<16xi32>], vector<16xf32>,
          %add3A_720 = arith.constant 48 : i32
          %add3A_721 = arith.addi %mul3A_485, %add3A_720 : i32
          %add3A_722 = vector.broadcast %add3A_721 : i32 to vector<16xi32>
          %add3A_723 = arith.addi %add3A_722, %iota3A : vector<16xi32>
          %gather3A_724 = arith.constant 0 : i32
          %gather3A_725 = arith.constant 0 : i32
          %gather3A_726 = tpu.memref_slice %arg6[%rem3A_442, %gather3A_724, %gather3A_725] : memref<2x512x64xf32, #tpu.memory_space<vmem>> -> memref<1x512x64xf32, #tpu.memory_space<vmem>>
          %gather3A_727 = tpu.memref_squeeze %gather3A_726 : memref<1x512x64xf32, #tpu.memory_space<vmem>> -> memref<512x64xf32, #tpu.memory_space<vmem>>
          %gather3A_728 = tpu.vector_load_idx %gather3A_727[%add3A_723, %add3A_686] : memref<512x64xf32, #tpu.memory_space<vmem>>[vector<16xi32>, vector<16xi32>], vector<16xf32>,
          %add3A_729 = arith.constant 64 : i32
          %add3A_730 = arith.addi %mul3A_485, %add3A_729 : i32
          %add3A_731 = vector.broadcast %add3A_730 : i32 to vector<16xi32>
          %add3A_732 = arith.addi %add3A_731, %iota3A : vector<16xi32>
          %gather3A_733 = arith.constant 0 : i32
          %gather3A_734 = arith.constant 0 : i32
          %gather3A_735 = tpu.memref_slice %arg6[%rem3A_442, %gather3A_733, %gather3A_734] : memref<2x512x64xf32, #tpu.memory_space<vmem>> -> memref<1x512x64xf32, #tpu.memory_space<vmem>>
          %gather3A_736 = tpu.memref_squeeze %gather3A_735 : memref<1x512x64xf32, #tpu.memory_space<vmem>> -> memref<512x64xf32, #tpu.memory_space<vmem>>
          %gather3A_737 = tpu.vector_load_idx %gather3A_736[%add3A_732, %add3A_686] : memref<512x64xf32, #tpu.memory_space<vmem>>[vector<16xi32>, vector<16xi32>], vector<16xf32>,
          %add3A_738 = arith.constant 80 : i32
          %add3A_739 = arith.addi %mul3A_485, %add3A_738 : i32
          %add3A_740 = vector.broadcast %add3A_739 : i32 to vector<16xi32>
          %add3A_741 = arith.addi %add3A_740, %iota3A : vector<16xi32>
          %gather3A_742 = arith.constant 0 : i32
          %gather3A_743 = arith.constant 0 : i32
          %gather3A_744 = tpu.memref_slice %arg6[%rem3A_442, %gather3A_742, %gather3A_743] : memref<2x512x64xf32, #tpu.memory_space<vmem>> -> memref<1x512x64xf32, #tpu.memory_space<vmem>>
          %gather3A_745 = tpu.memref_squeeze %gather3A_744 : memref<1x512x64xf32, #tpu.memory_space<vmem>> -> memref<512x64xf32, #tpu.memory_space<vmem>>
          %gather3A_746 = tpu.vector_load_idx %gather3A_745[%add3A_741, %add3A_686] : memref<512x64xf32, #tpu.memory_space<vmem>>[vector<16xi32>, vector<16xi32>], vector<16xf32>,
          %add3A_747 = arith.constant 96 : i32
          %add3A_748 = arith.addi %mul3A_485, %add3A_747 : i32
          %add3A_749 = vector.broadcast %add3A_748 : i32 to vector<16xi32>
          %add3A_750 = arith.addi %add3A_749, %iota3A : vector<16xi32>
          %gather3A_751 = arith.constant 0 : i32
          %gather3A_752 = arith.constant 0 : i32
          %gather3A_753 = tpu.memref_slice %arg6[%rem3A_442, %gather3A_751, %gather3A_752] : memref<2x512x64xf32, #tpu.memory_space<vmem>> -> memref<1x512x64xf32, #tpu.memory_space<vmem>>
          %gather3A_754 = tpu.memref_squeeze %gather3A_753 : memref<1x512x64xf32, #tpu.memory_space<vmem>> -> memref<512x64xf32, #tpu.memory_space<vmem>>
          %gather3A_755 = tpu.vector_load_idx %gather3A_754[%add3A_750, %add3A_686] : memref<512x64xf32, #tpu.memory_space<vmem>>[vector<16xi32>, vector<16xi32>], vector<16xf32>,
          %add3A_756 = arith.constant 112 : i32
          %add3A_757 = arith.addi %mul3A_485, %add3A_756 : i32
          %add3A_758 = vector.broadcast %add3A_757 : i32 to vector<16xi32>
          %add3A_759 = arith.addi %add3A_758, %iota3A : vector<16xi32>
          %gather3A_760 = arith.constant 0 : i32
          %gather3A_761 = arith.constant 0 : i32
          %gather3A_762 = tpu.memref_slice %arg6[%rem3A_442, %gather3A_760, %gather3A_761] : memref<2x512x64xf32, #tpu.memory_space<vmem>> -> memref<1x512x64xf32, #tpu.memory_space<vmem>>
          %gather3A_763 = tpu.memref_squeeze %gather3A_762 : memref<1x512x64xf32, #tpu.memory_space<vmem>> -> memref<512x64xf32, #tpu.memory_space<vmem>>
          %gather3A_764 = tpu.vector_load_idx %gather3A_763[%add3A_759, %add3A_686] : memref<512x64xf32, #tpu.memory_space<vmem>>[vector<16xi32>, vector<16xi32>], vector<16xf32>,
          %add3A_765 = arith.constant 0 : i32
          %add3A_766 = vector.broadcast %add3A_765 : i32 to vector<16xi32>
          %add3A_767 = arith.addi %add3A_766, %iota3A : vector<16xi32>
          %scatter3A_768 = arith.constant 0 : i32
          %scatter3A_769 = arith.constant 0 : i32
          %scatter3A_770 = arith.constant 0 : i32
          %scatter3A_771 = tpu.memref_slice %arg7[%rem3A_479, %scatter3A_768, %scatter3A_769, %scatter3A_770] : memref<5x8x8x128xf32, #tpu.memory_space<vmem>> -> memref<1x8x8x128xf32, #tpu.memory_space<vmem>>
          %scatter3A_772 = tpu.memref_squeeze %scatter3A_771 : memref<1x8x8x128xf32, #tpu.memory_space<vmem>> -> memref<8x8x128xf32, #tpu.memory_space<vmem>>
          tpu.vector_store_idx %scatter3A_772[%shift_right_logical3A_689, %and3A_692, %add3A_767], %gather3A_701 : memref<8x8x128xf32, #tpu.memory_space<vmem>>[vector<16xi32>, vector<16xi32>, vector<16xi32>], vector<16xf32>,
          %add3A_773 = arith.constant 16 : i32
          %add3A_774 = vector.broadcast %add3A_773 : i32 to vector<16xi32>
          %add3A_775 = arith.addi %add3A_774, %iota3A : vector<16xi32>
          %scatter3A_776 = arith.constant 0 : i32
          %scatter3A_777 = arith.constant 0 : i32
          %scatter3A_778 = arith.constant 0 : i32
          %scatter3A_779 = tpu.memref_slice %arg7[%rem3A_479, %scatter3A_776, %scatter3A_777, %scatter3A_778] : memref<5x8x8x128xf32, #tpu.memory_space<vmem>> -> memref<1x8x8x128xf32, #tpu.memory_space<vmem>>
          %scatter3A_780 = tpu.memref_squeeze %scatter3A_779 : memref<1x8x8x128xf32, #tpu.memory_space<vmem>> -> memref<8x8x128xf32, #tpu.memory_space<vmem>>
          tpu.vector_store_idx %scatter3A_780[%shift_right_logical3A_689, %and3A_692, %add3A_775], %gather3A_710 : memref<8x8x128xf32, #tpu.memory_space<vmem>>[vector<16xi32>, vector<16xi32>, vector<16xi32>], vector<16xf32>,
          %add3A_781 = arith.constant 32 : i32
          %add3A_782 = vector.broadcast %add3A_781 : i32 to vector<16xi32>
          %add3A_783 = arith.addi %add3A_782, %iota3A : vector<16xi32>
          %scatter3A_784 = arith.constant 0 : i32
          %scatter3A_785 = arith.constant 0 : i32
          %scatter3A_786 = arith.constant 0 : i32
          %scatter3A_787 = tpu.memref_slice %arg7[%rem3A_479, %scatter3A_784, %scatter3A_785, %scatter3A_786] : memref<5x8x8x128xf32, #tpu.memory_space<vmem>> -> memref<1x8x8x128xf32, #tpu.memory_space<vmem>>
          %scatter3A_788 = tpu.memref_squeeze %scatter3A_787 : memref<1x8x8x128xf32, #tpu.memory_space<vmem>> -> memref<8x8x128xf32, #tpu.memory_space<vmem>>
          tpu.vector_store_idx %scatter3A_788[%shift_right_logical3A_689, %and3A_692, %add3A_783], %gather3A_719 : memref<8x8x128xf32, #tpu.memory_space<vmem>>[vector<16xi32>, vector<16xi32>, vector<16xi32>], vector<16xf32>,
          %add3A_789 = arith.constant 48 : i32
          %add3A_790 = vector.broadcast %add3A_789 : i32 to vector<16xi32>
          %add3A_791 = arith.addi %add3A_790, %iota3A : vector<16xi32>
          %scatter3A_792 = arith.constant 0 : i32
          %scatter3A_793 = arith.constant 0 : i32
          %scatter3A_794 = arith.constant 0 : i32
          %scatter3A_795 = tpu.memref_slice %arg7[%rem3A_479, %scatter3A_792, %scatter3A_793, %scatter3A_794] : memref<5x8x8x128xf32, #tpu.memory_space<vmem>> -> memref<1x8x8x128xf32, #tpu.memory_space<vmem>>
          %scatter3A_796 = tpu.memref_squeeze %scatter3A_795 : memref<1x8x8x128xf32, #tpu.memory_space<vmem>> -> memref<8x8x128xf32, #tpu.memory_space<vmem>>
          tpu.vector_store_idx %scatter3A_796[%shift_right_logical3A_689, %and3A_692, %add3A_791], %gather3A_728 : memref<8x8x128xf32, #tpu.memory_space<vmem>>[vector<16xi32>, vector<16xi32>, vector<16xi32>], vector<16xf32>,
          %add3A_797 = arith.constant 64 : i32
          %add3A_798 = vector.broadcast %add3A_797 : i32 to vector<16xi32>
          %add3A_799 = arith.addi %add3A_798, %iota3A : vector<16xi32>
          %scatter3A_800 = arith.constant 0 : i32
          %scatter3A_801 = arith.constant 0 : i32
          %scatter3A_802 = arith.constant 0 : i32
          %scatter3A_803 = tpu.memref_slice %arg7[%rem3A_479, %scatter3A_800, %scatter3A_801, %scatter3A_802] : memref<5x8x8x128xf32, #tpu.memory_space<vmem>> -> memref<1x8x8x128xf32, #tpu.memory_space<vmem>>
          %scatter3A_804 = tpu.memref_squeeze %scatter3A_803 : memref<1x8x8x128xf32, #tpu.memory_space<vmem>> -> memref<8x8x128xf32, #tpu.memory_space<vmem>>
          tpu.vector_store_idx %scatter3A_804[%shift_right_logical3A_689, %and3A_692, %add3A_799], %gather3A_737 : memref<8x8x128xf32, #tpu.memory_space<vmem>>[vector<16xi32>, vector<16xi32>, vector<16xi32>], vector<16xf32>,
          %add3A_805 = arith.constant 80 : i32
          %add3A_806 = vector.broadcast %add3A_805 : i32 to vector<16xi32>
          %add3A_807 = arith.addi %add3A_806, %iota3A : vector<16xi32>
          %scatter3A_808 = arith.constant 0 : i32
          %scatter3A_809 = arith.constant 0 : i32
          %scatter3A_810 = arith.constant 0 : i32
          %scatter3A_811 = tpu.memref_slice %arg7[%rem3A_479, %scatter3A_808, %scatter3A_809, %scatter3A_810] : memref<5x8x8x128xf32, #tpu.memory_space<vmem>> -> memref<1x8x8x128xf32, #tpu.memory_space<vmem>>
          %scatter3A_812 = tpu.memref_squeeze %scatter3A_811 : memref<1x8x8x128xf32, #tpu.memory_space<vmem>> -> memref<8x8x128xf32, #tpu.memory_space<vmem>>
          tpu.vector_store_idx %scatter3A_812[%shift_right_logical3A_689, %and3A_692, %add3A_807], %gather3A_746 : memref<8x8x128xf32, #tpu.memory_space<vmem>>[vector<16xi32>, vector<16xi32>, vector<16xi32>], vector<16xf32>,
          %add3A_813 = arith.constant 96 : i32
          %add3A_814 = vector.broadcast %add3A_813 : i32 to vector<16xi32>
          %add3A_815 = arith.addi %add3A_814, %iota3A : vector<16xi32>
          %scatter3A_816 = arith.constant 0 : i32
          %scatter3A_817 = arith.constant 0 : i32
          %scatter3A_818 = arith.constant 0 : i32
          %scatter3A_819 = tpu.memref_slice %arg7[%rem3A_479, %scatter3A_816, %scatter3A_817, %scatter3A_818] : memref<5x8x8x128xf32, #tpu.memory_space<vmem>> -> memref<1x8x8x128xf32, #tpu.memory_space<vmem>>
          %scatter3A_820 = tpu.memref_squeeze %scatter3A_819 : memref<1x8x8x128xf32, #tpu.memory_space<vmem>> -> memref<8x8x128xf32, #tpu.memory_space<vmem>>
          tpu.vector_store_idx %scatter3A_820[%shift_right_logical3A_689, %and3A_692, %add3A_815], %gather3A_755 : memref<8x8x128xf32, #tpu.memory_space<vmem>>[vector<16xi32>, vector<16xi32>, vector<16xi32>], vector<16xf32>,
          %add3A_821 = arith.constant 112 : i32
          %add3A_822 = vector.broadcast %add3A_821 : i32 to vector<16xi32>
          %add3A_823 = arith.addi %add3A_822, %iota3A : vector<16xi32>
          %scatter3A_824 = arith.constant 0 : i32
          %scatter3A_825 = arith.constant 0 : i32
          %scatter3A_826 = arith.constant 0 : i32
          %scatter3A_827 = tpu.memref_slice %arg7[%rem3A_479, %scatter3A_824, %scatter3A_825, %scatter3A_826] : memref<5x8x8x128xf32, #tpu.memory_space<vmem>> -> memref<1x8x8x128xf32, #tpu.memory_space<vmem>>
          %scatter3A_828 = tpu.memref_squeeze %scatter3A_827 : memref<1x8x8x128xf32, #tpu.memory_space<vmem>> -> memref<8x8x128xf32, #tpu.memory_space<vmem>>
          tpu.vector_store_idx %scatter3A_828[%shift_right_logical3A_689, %and3A_692, %add3A_823], %gather3A_764 : memref<8x8x128xf32, #tpu.memory_space<vmem>>[vector<16xi32>, vector<16xi32>, vector<16xi32>], vector<16xf32>,
          %add3A_829 = arith.constant 32 : i32
          %add3A_830 = vector.broadcast %add3A_829 : i32 to vector<16xi32>
          %add3A_831 = arith.addi %add3A_830, %xor3A_541 : vector<16xi32>
          %shift_right_logical3A_832 = arith.constant 3 : i32
          %shift_right_logical3A_833 = vector.broadcast %shift_right_logical3A_832 : i32 to vector<16xi32>
          %shift_right_logical3A_834 = arith.shrui %add3A_831, %shift_right_logical3A_833 : vector<16xi32>
          %and3A_835 = arith.constant 7 : i32
          %and3A_836 = vector.broadcast %and3A_835 : i32 to vector<16xi32>
          %and3A_837 = arith.andi %add3A_831, %and3A_836 : vector<16xi32>
          %add3A_838 = arith.constant 0 : i32
          %add3A_839 = arith.addi %mul3A_485, %add3A_838 : i32
          %add3A_840 = vector.broadcast %add3A_839 : i32 to vector<16xi32>
          %add3A_841 = arith.addi %add3A_840, %iota3A : vector<16xi32>
          %gather3A_842 = arith.constant 0 : i32
          %gather3A_843 = arith.constant 0 : i32
          %gather3A_844 = tpu.memref_slice %arg6[%rem3A_442, %gather3A_842, %gather3A_843] : memref<2x512x64xf32, #tpu.memory_space<vmem>> -> memref<1x512x64xf32, #tpu.memory_space<vmem>>
          %gather3A_845 = tpu.memref_squeeze %gather3A_844 : memref<1x512x64xf32, #tpu.memory_space<vmem>> -> memref<512x64xf32, #tpu.memory_space<vmem>>
          %gather3A_846 = tpu.vector_load_idx %gather3A_845[%add3A_841, %add3A_831] : memref<512x64xf32, #tpu.memory_space<vmem>>[vector<16xi32>, vector<16xi32>], vector<16xf32>,
          %add3A_847 = arith.constant 16 : i32
          %add3A_848 = arith.addi %mul3A_485, %add3A_847 : i32
          %add3A_849 = vector.broadcast %add3A_848 : i32 to vector<16xi32>
          %add3A_850 = arith.addi %add3A_849, %iota3A : vector<16xi32>
          %gather3A_851 = arith.constant 0 : i32
          %gather3A_852 = arith.constant 0 : i32
          %gather3A_853 = tpu.memref_slice %arg6[%rem3A_442, %gather3A_851, %gather3A_852] : memref<2x512x64xf32, #tpu.memory_space<vmem>> -> memref<1x512x64xf32, #tpu.memory_space<vmem>>
          %gather3A_854 = tpu.memref_squeeze %gather3A_853 : memref<1x512x64xf32, #tpu.memory_space<vmem>> -> memref<512x64xf32, #tpu.memory_space<vmem>>
          %gather3A_855 = tpu.vector_load_idx %gather3A_854[%add3A_850, %add3A_831] : memref<512x64xf32, #tpu.memory_space<vmem>>[vector<16xi32>, vector<16xi32>], vector<16xf32>,
          %add3A_856 = arith.constant 32 : i32
          %add3A_857 = arith.addi %mul3A_485, %add3A_856 : i32
          %add3A_858 = vector.broadcast %add3A_857 : i32 to vector<16xi32>
          %add3A_859 = arith.addi %add3A_858, %iota3A : vector<16xi32>
          %gather3A_860 = arith.constant 0 : i32
          %gather3A_861 = arith.constant 0 : i32
          %gather3A_862 = tpu.memref_slice %arg6[%rem3A_442, %gather3A_860, %gather3A_861] : memref<2x512x64xf32, #tpu.memory_space<vmem>> -> memref<1x512x64xf32, #tpu.memory_space<vmem>>
          %gather3A_863 = tpu.memref_squeeze %gather3A_862 : memref<1x512x64xf32, #tpu.memory_space<vmem>> -> memref<512x64xf32, #tpu.memory_space<vmem>>
          %gather3A_864 = tpu.vector_load_idx %gather3A_863[%add3A_859, %add3A_831] : memref<512x64xf32, #tpu.memory_space<vmem>>[vector<16xi32>, vector<16xi32>], vector<16xf32>,
          %add3A_865 = arith.constant 48 : i32
          %add3A_866 = arith.addi %mul3A_485, %add3A_865 : i32
          %add3A_867 = vector.broadcast %add3A_866 : i32 to vector<16xi32>
          %add3A_868 = arith.addi %add3A_867, %iota3A : vector<16xi32>
          %gather3A_869 = arith.constant 0 : i32
          %gather3A_870 = arith.constant 0 : i32
          %gather3A_871 = tpu.memref_slice %arg6[%rem3A_442, %gather3A_869, %gather3A_870] : memref<2x512x64xf32, #tpu.memory_space<vmem>> -> memref<1x512x64xf32, #tpu.memory_space<vmem>>
          %gather3A_872 = tpu.memref_squeeze %gather3A_871 : memref<1x512x64xf32, #tpu.memory_space<vmem>> -> memref<512x64xf32, #tpu.memory_space<vmem>>
          %gather3A_873 = tpu.vector_load_idx %gather3A_872[%add3A_868, %add3A_831] : memref<512x64xf32, #tpu.memory_space<vmem>>[vector<16xi32>, vector<16xi32>], vector<16xf32>,
          %add3A_874 = arith.constant 64 : i32
          %add3A_875 = arith.addi %mul3A_485, %add3A_874 : i32
          %add3A_876 = vector.broadcast %add3A_875 : i32 to vector<16xi32>
          %add3A_877 = arith.addi %add3A_876, %iota3A : vector<16xi32>
          %gather3A_878 = arith.constant 0 : i32
          %gather3A_879 = arith.constant 0 : i32
          %gather3A_880 = tpu.memref_slice %arg6[%rem3A_442, %gather3A_878, %gather3A_879] : memref<2x512x64xf32, #tpu.memory_space<vmem>> -> memref<1x512x64xf32, #tpu.memory_space<vmem>>
          %gather3A_881 = tpu.memref_squeeze %gather3A_880 : memref<1x512x64xf32, #tpu.memory_space<vmem>> -> memref<512x64xf32, #tpu.memory_space<vmem>>
          %gather3A_882 = tpu.vector_load_idx %gather3A_881[%add3A_877, %add3A_831] : memref<512x64xf32, #tpu.memory_space<vmem>>[vector<16xi32>, vector<16xi32>], vector<16xf32>,
          %add3A_883 = arith.constant 80 : i32
          %add3A_884 = arith.addi %mul3A_485, %add3A_883 : i32
          %add3A_885 = vector.broadcast %add3A_884 : i32 to vector<16xi32>
          %add3A_886 = arith.addi %add3A_885, %iota3A : vector<16xi32>
          %gather3A_887 = arith.constant 0 : i32
          %gather3A_888 = arith.constant 0 : i32
          %gather3A_889 = tpu.memref_slice %arg6[%rem3A_442, %gather3A_887, %gather3A_888] : memref<2x512x64xf32, #tpu.memory_space<vmem>> -> memref<1x512x64xf32, #tpu.memory_space<vmem>>
          %gather3A_890 = tpu.memref_squeeze %gather3A_889 : memref<1x512x64xf32, #tpu.memory_space<vmem>> -> memref<512x64xf32, #tpu.memory_space<vmem>>
          %gather3A_891 = tpu.vector_load_idx %gather3A_890[%add3A_886, %add3A_831] : memref<512x64xf32, #tpu.memory_space<vmem>>[vector<16xi32>, vector<16xi32>], vector<16xf32>,
          %add3A_892 = arith.constant 96 : i32
          %add3A_893 = arith.addi %mul3A_485, %add3A_892 : i32
          %add3A_894 = vector.broadcast %add3A_893 : i32 to vector<16xi32>
          %add3A_895 = arith.addi %add3A_894, %iota3A : vector<16xi32>
          %gather3A_896 = arith.constant 0 : i32
          %gather3A_897 = arith.constant 0 : i32
          %gather3A_898 = tpu.memref_slice %arg6[%rem3A_442, %gather3A_896, %gather3A_897] : memref<2x512x64xf32, #tpu.memory_space<vmem>> -> memref<1x512x64xf32, #tpu.memory_space<vmem>>
          %gather3A_899 = tpu.memref_squeeze %gather3A_898 : memref<1x512x64xf32, #tpu.memory_space<vmem>> -> memref<512x64xf32, #tpu.memory_space<vmem>>
          %gather3A_900 = tpu.vector_load_idx %gather3A_899[%add3A_895, %add3A_831] : memref<512x64xf32, #tpu.memory_space<vmem>>[vector<16xi32>, vector<16xi32>], vector<16xf32>,
          %add3A_901 = arith.constant 112 : i32
          %add3A_902 = arith.addi %mul3A_485, %add3A_901 : i32
          %add3A_903 = vector.broadcast %add3A_902 : i32 to vector<16xi32>
          %add3A_904 = arith.addi %add3A_903, %iota3A : vector<16xi32>
          %gather3A_905 = arith.constant 0 : i32
          %gather3A_906 = arith.constant 0 : i32
          %gather3A_907 = tpu.memref_slice %arg6[%rem3A_442, %gather3A_905, %gather3A_906] : memref<2x512x64xf32, #tpu.memory_space<vmem>> -> memref<1x512x64xf32, #tpu.memory_space<vmem>>
          %gather3A_908 = tpu.memref_squeeze %gather3A_907 : memref<1x512x64xf32, #tpu.memory_space<vmem>> -> memref<512x64xf32, #tpu.memory_space<vmem>>
          %gather3A_909 = tpu.vector_load_idx %gather3A_908[%add3A_904, %add3A_831] : memref<512x64xf32, #tpu.memory_space<vmem>>[vector<16xi32>, vector<16xi32>], vector<16xf32>,
          %add3A_910 = arith.constant 0 : i32
          %add3A_911 = vector.broadcast %add3A_910 : i32 to vector<16xi32>
          %add3A_912 = arith.addi %add3A_911, %iota3A : vector<16xi32>
          %scatter3A_913 = arith.constant 0 : i32
          %scatter3A_914 = arith.constant 0 : i32
          %scatter3A_915 = arith.constant 0 : i32
          %scatter3A_916 = tpu.memref_slice %arg7[%rem3A_479, %scatter3A_913, %scatter3A_914, %scatter3A_915] : memref<5x8x8x128xf32, #tpu.memory_space<vmem>> -> memref<1x8x8x128xf32, #tpu.memory_space<vmem>>
          %scatter3A_917 = tpu.memref_squeeze %scatter3A_916 : memref<1x8x8x128xf32, #tpu.memory_space<vmem>> -> memref<8x8x128xf32, #tpu.memory_space<vmem>>
          tpu.vector_store_idx %scatter3A_917[%shift_right_logical3A_834, %and3A_837, %add3A_912], %gather3A_846 : memref<8x8x128xf32, #tpu.memory_space<vmem>>[vector<16xi32>, vector<16xi32>, vector<16xi32>], vector<16xf32>,
          %add3A_918 = arith.constant 16 : i32
          %add3A_919 = vector.broadcast %add3A_918 : i32 to vector<16xi32>
          %add3A_920 = arith.addi %add3A_919, %iota3A : vector<16xi32>
          %scatter3A_921 = arith.constant 0 : i32
          %scatter3A_922 = arith.constant 0 : i32
          %scatter3A_923 = arith.constant 0 : i32
          %scatter3A_924 = tpu.memref_slice %arg7[%rem3A_479, %scatter3A_921, %scatter3A_922, %scatter3A_923] : memref<5x8x8x128xf32, #tpu.memory_space<vmem>> -> memref<1x8x8x128xf32, #tpu.memory_space<vmem>>
          %scatter3A_925 = tpu.memref_squeeze %scatter3A_924 : memref<1x8x8x128xf32, #tpu.memory_space<vmem>> -> memref<8x8x128xf32, #tpu.memory_space<vmem>>
          tpu.vector_store_idx %scatter3A_925[%shift_right_logical3A_834, %and3A_837, %add3A_920], %gather3A_855 : memref<8x8x128xf32, #tpu.memory_space<vmem>>[vector<16xi32>, vector<16xi32>, vector<16xi32>], vector<16xf32>,
          %add3A_926 = arith.constant 32 : i32
          %add3A_927 = vector.broadcast %add3A_926 : i32 to vector<16xi32>
          %add3A_928 = arith.addi %add3A_927, %iota3A : vector<16xi32>
          %scatter3A_929 = arith.constant 0 : i32
          %scatter3A_930 = arith.constant 0 : i32
          %scatter3A_931 = arith.constant 0 : i32
          %scatter3A_932 = tpu.memref_slice %arg7[%rem3A_479, %scatter3A_929, %scatter3A_930, %scatter3A_931] : memref<5x8x8x128xf32, #tpu.memory_space<vmem>> -> memref<1x8x8x128xf32, #tpu.memory_space<vmem>>
          %scatter3A_933 = tpu.memref_squeeze %scatter3A_932 : memref<1x8x8x128xf32, #tpu.memory_space<vmem>> -> memref<8x8x128xf32, #tpu.memory_space<vmem>>
          tpu.vector_store_idx %scatter3A_933[%shift_right_logical3A_834, %and3A_837, %add3A_928], %gather3A_864 : memref<8x8x128xf32, #tpu.memory_space<vmem>>[vector<16xi32>, vector<16xi32>, vector<16xi32>], vector<16xf32>,
          %add3A_934 = arith.constant 48 : i32
          %add3A_935 = vector.broadcast %add3A_934 : i32 to vector<16xi32>
          %add3A_936 = arith.addi %add3A_935, %iota3A : vector<16xi32>
          %scatter3A_937 = arith.constant 0 : i32
          %scatter3A_938 = arith.constant 0 : i32
          %scatter3A_939 = arith.constant 0 : i32
          %scatter3A_940 = tpu.memref_slice %arg7[%rem3A_479, %scatter3A_937, %scatter3A_938, %scatter3A_939] : memref<5x8x8x128xf32, #tpu.memory_space<vmem>> -> memref<1x8x8x128xf32, #tpu.memory_space<vmem>>
          %scatter3A_941 = tpu.memref_squeeze %scatter3A_940 : memref<1x8x8x128xf32, #tpu.memory_space<vmem>> -> memref<8x8x128xf32, #tpu.memory_space<vmem>>
          tpu.vector_store_idx %scatter3A_941[%shift_right_logical3A_834, %and3A_837, %add3A_936], %gather3A_873 : memref<8x8x128xf32, #tpu.memory_space<vmem>>[vector<16xi32>, vector<16xi32>, vector<16xi32>], vector<16xf32>,
          %add3A_942 = arith.constant 64 : i32
          %add3A_943 = vector.broadcast %add3A_942 : i32 to vector<16xi32>
          %add3A_944 = arith.addi %add3A_943, %iota3A : vector<16xi32>
          %scatter3A_945 = arith.constant 0 : i32
          %scatter3A_946 = arith.constant 0 : i32
          %scatter3A_947 = arith.constant 0 : i32
          %scatter3A_948 = tpu.memref_slice %arg7[%rem3A_479, %scatter3A_945, %scatter3A_946, %scatter3A_947] : memref<5x8x8x128xf32, #tpu.memory_space<vmem>> -> memref<1x8x8x128xf32, #tpu.memory_space<vmem>>
          %scatter3A_949 = tpu.memref_squeeze %scatter3A_948 : memref<1x8x8x128xf32, #tpu.memory_space<vmem>> -> memref<8x8x128xf32, #tpu.memory_space<vmem>>
          tpu.vector_store_idx %scatter3A_949[%shift_right_logical3A_834, %and3A_837, %add3A_944], %gather3A_882 : memref<8x8x128xf32, #tpu.memory_space<vmem>>[vector<16xi32>, vector<16xi32>, vector<16xi32>], vector<16xf32>,
          %add3A_950 = arith.constant 80 : i32
          %add3A_951 = vector.broadcast %add3A_950 : i32 to vector<16xi32>
          %add3A_952 = arith.addi %add3A_951, %iota3A : vector<16xi32>
          %scatter3A_953 = arith.constant 0 : i32
          %scatter3A_954 = arith.constant 0 : i32
          %scatter3A_955 = arith.constant 0 : i32
          %scatter3A_956 = tpu.memref_slice %arg7[%rem3A_479, %scatter3A_953, %scatter3A_954, %scatter3A_955] : memref<5x8x8x128xf32, #tpu.memory_space<vmem>> -> memref<1x8x8x128xf32, #tpu.memory_space<vmem>>
          %scatter3A_957 = tpu.memref_squeeze %scatter3A_956 : memref<1x8x8x128xf32, #tpu.memory_space<vmem>> -> memref<8x8x128xf32, #tpu.memory_space<vmem>>
          tpu.vector_store_idx %scatter3A_957[%shift_right_logical3A_834, %and3A_837, %add3A_952], %gather3A_891 : memref<8x8x128xf32, #tpu.memory_space<vmem>>[vector<16xi32>, vector<16xi32>, vector<16xi32>], vector<16xf32>,
          %add3A_958 = arith.constant 96 : i32
          %add3A_959 = vector.broadcast %add3A_958 : i32 to vector<16xi32>
          %add3A_960 = arith.addi %add3A_959, %iota3A : vector<16xi32>
          %scatter3A_961 = arith.constant 0 : i32
          %scatter3A_962 = arith.constant 0 : i32
          %scatter3A_963 = arith.constant 0 : i32
          %scatter3A_964 = tpu.memref_slice %arg7[%rem3A_479, %scatter3A_961, %scatter3A_962, %scatter3A_963] : memref<5x8x8x128xf32, #tpu.memory_space<vmem>> -> memref<1x8x8x128xf32, #tpu.memory_space<vmem>>
          %scatter3A_965 = tpu.memref_squeeze %scatter3A_964 : memref<1x8x8x128xf32, #tpu.memory_space<vmem>> -> memref<8x8x128xf32, #tpu.memory_space<vmem>>
          tpu.vector_store_idx %scatter3A_965[%shift_right_logical3A_834, %and3A_837, %add3A_960], %gather3A_900 : memref<8x8x128xf32, #tpu.memory_space<vmem>>[vector<16xi32>, vector<16xi32>, vector<16xi32>], vector<16xf32>,
          %add3A_966 = arith.constant 112 : i32
          %add3A_967 = vector.broadcast %add3A_966 : i32 to vector<16xi32>
          %add3A_968 = arith.addi %add3A_967, %iota3A : vector<16xi32>
          %scatter3A_969 = arith.constant 0 : i32
          %scatter3A_970 = arith.constant 0 : i32
          %scatter3A_971 = arith.constant 0 : i32
          %scatter3A_972 = tpu.memref_slice %arg7[%rem3A_479, %scatter3A_969, %scatter3A_970, %scatter3A_971] : memref<5x8x8x128xf32, #tpu.memory_space<vmem>> -> memref<1x8x8x128xf32, #tpu.memory_space<vmem>>
          %scatter3A_973 = tpu.memref_squeeze %scatter3A_972 : memref<1x8x8x128xf32, #tpu.memory_space<vmem>> -> memref<8x8x128xf32, #tpu.memory_space<vmem>>
          tpu.vector_store_idx %scatter3A_973[%shift_right_logical3A_834, %and3A_837, %add3A_968], %gather3A_909 : memref<8x8x128xf32, #tpu.memory_space<vmem>>[vector<16xi32>, vector<16xi32>, vector<16xi32>], vector<16xf32>,
          %add3A_974 = arith.constant 48 : i32
          %add3A_975 = vector.broadcast %add3A_974 : i32 to vector<16xi32>
          %add3A_976 = arith.addi %add3A_975, %xor3A_541 : vector<16xi32>
          %shift_right_logical3A_977 = arith.constant 3 : i32
          %shift_right_logical3A_978 = vector.broadcast %shift_right_logical3A_977 : i32 to vector<16xi32>
          %shift_right_logical3A_979 = arith.shrui %add3A_976, %shift_right_logical3A_978 : vector<16xi32>
          %and3A_980 = arith.constant 7 : i32
          %and3A_981 = vector.broadcast %and3A_980 : i32 to vector<16xi32>
          %and3A_982 = arith.andi %add3A_976, %and3A_981 : vector<16xi32>
          %add3A_983 = arith.constant 0 : i32
          %add3A_984 = arith.addi %mul3A_485, %add3A_983 : i32
          %add3A_985 = vector.broadcast %add3A_984 : i32 to vector<16xi32>
          %add3A_986 = arith.addi %add3A_985, %iota3A : vector<16xi32>
          %gather3A_987 = arith.constant 0 : i32
          %gather3A_988 = arith.constant 0 : i32
          %gather3A_989 = tpu.memref_slice %arg6[%rem3A_442, %gather3A_987, %gather3A_988] : memref<2x512x64xf32, #tpu.memory_space<vmem>> -> memref<1x512x64xf32, #tpu.memory_space<vmem>>
          %gather3A_990 = tpu.memref_squeeze %gather3A_989 : memref<1x512x64xf32, #tpu.memory_space<vmem>> -> memref<512x64xf32, #tpu.memory_space<vmem>>
          %gather3A_991 = tpu.vector_load_idx %gather3A_990[%add3A_986, %add3A_976] : memref<512x64xf32, #tpu.memory_space<vmem>>[vector<16xi32>, vector<16xi32>], vector<16xf32>,
          %add3A_992 = arith.constant 16 : i32
          %add3A_993 = arith.addi %mul3A_485, %add3A_992 : i32
          %add3A_994 = vector.broadcast %add3A_993 : i32 to vector<16xi32>
          %add3A_995 = arith.addi %add3A_994, %iota3A : vector<16xi32>
          %gather3A_996 = arith.constant 0 : i32
          %gather3A_997 = arith.constant 0 : i32
          %gather3A_998 = tpu.memref_slice %arg6[%rem3A_442, %gather3A_996, %gather3A_997] : memref<2x512x64xf32, #tpu.memory_space<vmem>> -> memref<1x512x64xf32, #tpu.memory_space<vmem>>
          %gather3A_999 = tpu.memref_squeeze %gather3A_998 : memref<1x512x64xf32, #tpu.memory_space<vmem>> -> memref<512x64xf32, #tpu.memory_space<vmem>>
          %gather3A_1000 = tpu.vector_load_idx %gather3A_999[%add3A_995, %add3A_976] : memref<512x64xf32, #tpu.memory_space<vmem>>[vector<16xi32>, vector<16xi32>], vector<16xf32>,
          %add3A_1001 = arith.constant 32 : i32
          %add3A_1002 = arith.addi %mul3A_485, %add3A_1001 : i32
          %add3A_1003 = vector.broadcast %add3A_1002 : i32 to vector<16xi32>
          %add3A_1004 = arith.addi %add3A_1003, %iota3A : vector<16xi32>
          %gather3A_1005 = arith.constant 0 : i32
          %gather3A_1006 = arith.constant 0 : i32
          %gather3A_1007 = tpu.memref_slice %arg6[%rem3A_442, %gather3A_1005, %gather3A_1006] : memref<2x512x64xf32, #tpu.memory_space<vmem>> -> memref<1x512x64xf32, #tpu.memory_space<vmem>>
          %gather3A_1008 = tpu.memref_squeeze %gather3A_1007 : memref<1x512x64xf32, #tpu.memory_space<vmem>> -> memref<512x64xf32, #tpu.memory_space<vmem>>
          %gather3A_1009 = tpu.vector_load_idx %gather3A_1008[%add3A_1004, %add3A_976] : memref<512x64xf32, #tpu.memory_space<vmem>>[vector<16xi32>, vector<16xi32>], vector<16xf32>,
          %add3A_1010 = arith.constant 48 : i32
          %add3A_1011 = arith.addi %mul3A_485, %add3A_1010 : i32
          %add3A_1012 = vector.broadcast %add3A_1011 : i32 to vector<16xi32>
          %add3A_1013 = arith.addi %add3A_1012, %iota3A : vector<16xi32>
          %gather3A_1014 = arith.constant 0 : i32
          %gather3A_1015 = arith.constant 0 : i32
          %gather3A_1016 = tpu.memref_slice %arg6[%rem3A_442, %gather3A_1014, %gather3A_1015] : memref<2x512x64xf32, #tpu.memory_space<vmem>> -> memref<1x512x64xf32, #tpu.memory_space<vmem>>
          %gather3A_1017 = tpu.memref_squeeze %gather3A_1016 : memref<1x512x64xf32, #tpu.memory_space<vmem>> -> memref<512x64xf32, #tpu.memory_space<vmem>>
          %gather3A_1018 = tpu.vector_load_idx %gather3A_1017[%add3A_1013, %add3A_976] : memref<512x64xf32, #tpu.memory_space<vmem>>[vector<16xi32>, vector<16xi32>], vector<16xf32>,
          %add3A_1019 = arith.constant 64 : i32
          %add3A_1020 = arith.addi %mul3A_485, %add3A_1019 : i32
          %add3A_1021 = vector.broadcast %add3A_1020 : i32 to vector<16xi32>
          %add3A_1022 = arith.addi %add3A_1021, %iota3A : vector<16xi32>
          %gather3A_1023 = arith.constant 0 : i32
          %gather3A_1024 = arith.constant 0 : i32
          %gather3A_1025 = tpu.memref_slice %arg6[%rem3A_442, %gather3A_1023, %gather3A_1024] : memref<2x512x64xf32, #tpu.memory_space<vmem>> -> memref<1x512x64xf32, #tpu.memory_space<vmem>>
          %gather3A_1026 = tpu.memref_squeeze %gather3A_1025 : memref<1x512x64xf32, #tpu.memory_space<vmem>> -> memref<512x64xf32, #tpu.memory_space<vmem>>
          %gather3A_1027 = tpu.vector_load_idx %gather3A_1026[%add3A_1022, %add3A_976] : memref<512x64xf32, #tpu.memory_space<vmem>>[vector<16xi32>, vector<16xi32>], vector<16xf32>,
          %add3A_1028 = arith.constant 80 : i32
          %add3A_1029 = arith.addi %mul3A_485, %add3A_1028 : i32
          %add3A_1030 = vector.broadcast %add3A_1029 : i32 to vector<16xi32>
          %add3A_1031 = arith.addi %add3A_1030, %iota3A : vector<16xi32>
          %gather3A_1032 = arith.constant 0 : i32
          %gather3A_1033 = arith.constant 0 : i32
          %gather3A_1034 = tpu.memref_slice %arg6[%rem3A_442, %gather3A_1032, %gather3A_1033] : memref<2x512x64xf32, #tpu.memory_space<vmem>> -> memref<1x512x64xf32, #tpu.memory_space<vmem>>
          %gather3A_1035 = tpu.memref_squeeze %gather3A_1034 : memref<1x512x64xf32, #tpu.memory_space<vmem>> -> memref<512x64xf32, #tpu.memory_space<vmem>>
          %gather3A_1036 = tpu.vector_load_idx %gather3A_1035[%add3A_1031, %add3A_976] : memref<512x64xf32, #tpu.memory_space<vmem>>[vector<16xi32>, vector<16xi32>], vector<16xf32>,
          %add3A_1037 = arith.constant 96 : i32
          %add3A_1038 = arith.addi %mul3A_485, %add3A_1037 : i32
          %add3A_1039 = vector.broadcast %add3A_1038 : i32 to vector<16xi32>
          %add3A_1040 = arith.addi %add3A_1039, %iota3A : vector<16xi32>
          %gather3A_1041 = arith.constant 0 : i32
          %gather3A_1042 = arith.constant 0 : i32
          %gather3A_1043 = tpu.memref_slice %arg6[%rem3A_442, %gather3A_1041, %gather3A_1042] : memref<2x512x64xf32, #tpu.memory_space<vmem>> -> memref<1x512x64xf32, #tpu.memory_space<vmem>>
          %gather3A_1044 = tpu.memref_squeeze %gather3A_1043 : memref<1x512x64xf32, #tpu.memory_space<vmem>> -> memref<512x64xf32, #tpu.memory_space<vmem>>
          %gather3A_1045 = tpu.vector_load_idx %gather3A_1044[%add3A_1040, %add3A_976] : memref<512x64xf32, #tpu.memory_space<vmem>>[vector<16xi32>, vector<16xi32>], vector<16xf32>,
          %add3A_1046 = arith.constant 112 : i32
          %add3A_1047 = arith.addi %mul3A_485, %add3A_1046 : i32
          %add3A_1048 = vector.broadcast %add3A_1047 : i32 to vector<16xi32>
          %add3A_1049 = arith.addi %add3A_1048, %iota3A : vector<16xi32>
          %gather3A_1050 = arith.constant 0 : i32
          %gather3A_1051 = arith.constant 0 : i32
          %gather3A_1052 = tpu.memref_slice %arg6[%rem3A_442, %gather3A_1050, %gather3A_1051] : memref<2x512x64xf32, #tpu.memory_space<vmem>> -> memref<1x512x64xf32, #tpu.memory_space<vmem>>
          %gather3A_1053 = tpu.memref_squeeze %gather3A_1052 : memref<1x512x64xf32, #tpu.memory_space<vmem>> -> memref<512x64xf32, #tpu.memory_space<vmem>>
          %gather3A_1054 = tpu.vector_load_idx %gather3A_1053[%add3A_1049, %add3A_976] : memref<512x64xf32, #tpu.memory_space<vmem>>[vector<16xi32>, vector<16xi32>], vector<16xf32>,
          %add3A_1055 = arith.constant 0 : i32
          %add3A_1056 = vector.broadcast %add3A_1055 : i32 to vector<16xi32>
          %add3A_1057 = arith.addi %add3A_1056, %iota3A : vector<16xi32>
          %scatter3A_1058 = arith.constant 0 : i32
          %scatter3A_1059 = arith.constant 0 : i32
          %scatter3A_1060 = arith.constant 0 : i32
          %scatter3A_1061 = tpu.memref_slice %arg7[%rem3A_479, %scatter3A_1058, %scatter3A_1059, %scatter3A_1060] : memref<5x8x8x128xf32, #tpu.memory_space<vmem>> -> memref<1x8x8x128xf32, #tpu.memory_space<vmem>>
          %scatter3A_1062 = tpu.memref_squeeze %scatter3A_1061 : memref<1x8x8x128xf32, #tpu.memory_space<vmem>> -> memref<8x8x128xf32, #tpu.memory_space<vmem>>
          tpu.vector_store_idx %scatter3A_1062[%shift_right_logical3A_979, %and3A_982, %add3A_1057], %gather3A_991 : memref<8x8x128xf32, #tpu.memory_space<vmem>>[vector<16xi32>, vector<16xi32>, vector<16xi32>], vector<16xf32>,
          %add3A_1063 = arith.constant 16 : i32
          %add3A_1064 = vector.broadcast %add3A_1063 : i32 to vector<16xi32>
          %add3A_1065 = arith.addi %add3A_1064, %iota3A : vector<16xi32>
          %scatter3A_1066 = arith.constant 0 : i32
          %scatter3A_1067 = arith.constant 0 : i32
          %scatter3A_1068 = arith.constant 0 : i32
          %scatter3A_1069 = tpu.memref_slice %arg7[%rem3A_479, %scatter3A_1066, %scatter3A_1067, %scatter3A_1068] : memref<5x8x8x128xf32, #tpu.memory_space<vmem>> -> memref<1x8x8x128xf32, #tpu.memory_space<vmem>>
          %scatter3A_1070 = tpu.memref_squeeze %scatter3A_1069 : memref<1x8x8x128xf32, #tpu.memory_space<vmem>> -> memref<8x8x128xf32, #tpu.memory_space<vmem>>
          tpu.vector_store_idx %scatter3A_1070[%shift_right_logical3A_979, %and3A_982, %add3A_1065], %gather3A_1000 : memref<8x8x128xf32, #tpu.memory_space<vmem>>[vector<16xi32>, vector<16xi32>, vector<16xi32>], vector<16xf32>,
          %add3A_1071 = arith.constant 32 : i32
          %add3A_1072 = vector.broadcast %add3A_1071 : i32 to vector<16xi32>
          %add3A_1073 = arith.addi %add3A_1072, %iota3A : vector<16xi32>
          %scatter3A_1074 = arith.constant 0 : i32
          %scatter3A_1075 = arith.constant 0 : i32
          %scatter3A_1076 = arith.constant 0 : i32
          %scatter3A_1077 = tpu.memref_slice %arg7[%rem3A_479, %scatter3A_1074, %scatter3A_1075, %scatter3A_1076] : memref<5x8x8x128xf32, #tpu.memory_space<vmem>> -> memref<1x8x8x128xf32, #tpu.memory_space<vmem>>
          %scatter3A_1078 = tpu.memref_squeeze %scatter3A_1077 : memref<1x8x8x128xf32, #tpu.memory_space<vmem>> -> memref<8x8x128xf32, #tpu.memory_space<vmem>>
          tpu.vector_store_idx %scatter3A_1078[%shift_right_logical3A_979, %and3A_982, %add3A_1073], %gather3A_1009 : memref<8x8x128xf32, #tpu.memory_space<vmem>>[vector<16xi32>, vector<16xi32>, vector<16xi32>], vector<16xf32>,
          %add3A_1079 = arith.constant 48 : i32
          %add3A_1080 = vector.broadcast %add3A_1079 : i32 to vector<16xi32>
          %add3A_1081 = arith.addi %add3A_1080, %iota3A : vector<16xi32>
          %scatter3A_1082 = arith.constant 0 : i32
          %scatter3A_1083 = arith.constant 0 : i32
          %scatter3A_1084 = arith.constant 0 : i32
          %scatter3A_1085 = tpu.memref_slice %arg7[%rem3A_479, %scatter3A_1082, %scatter3A_1083, %scatter3A_1084] : memref<5x8x8x128xf32, #tpu.memory_space<vmem>> -> memref<1x8x8x128xf32, #tpu.memory_space<vmem>>
          %scatter3A_1086 = tpu.memref_squeeze %scatter3A_1085 : memref<1x8x8x128xf32, #tpu.memory_space<vmem>> -> memref<8x8x128xf32, #tpu.memory_space<vmem>>
          tpu.vector_store_idx %scatter3A_1086[%shift_right_logical3A_979, %and3A_982, %add3A_1081], %gather3A_1018 : memref<8x8x128xf32, #tpu.memory_space<vmem>>[vector<16xi32>, vector<16xi32>, vector<16xi32>], vector<16xf32>,
          %add3A_1087 = arith.constant 64 : i32
          %add3A_1088 = vector.broadcast %add3A_1087 : i32 to vector<16xi32>
          %add3A_1089 = arith.addi %add3A_1088, %iota3A : vector<16xi32>
          %scatter3A_1090 = arith.constant 0 : i32
          %scatter3A_1091 = arith.constant 0 : i32
          %scatter3A_1092 = arith.constant 0 : i32
          %scatter3A_1093 = tpu.memref_slice %arg7[%rem3A_479, %scatter3A_1090, %scatter3A_1091, %scatter3A_1092] : memref<5x8x8x128xf32, #tpu.memory_space<vmem>> -> memref<1x8x8x128xf32, #tpu.memory_space<vmem>>
          %scatter3A_1094 = tpu.memref_squeeze %scatter3A_1093 : memref<1x8x8x128xf32, #tpu.memory_space<vmem>> -> memref<8x8x128xf32, #tpu.memory_space<vmem>>
          tpu.vector_store_idx %scatter3A_1094[%shift_right_logical3A_979, %and3A_982, %add3A_1089], %gather3A_1027 : memref<8x8x128xf32, #tpu.memory_space<vmem>>[vector<16xi32>, vector<16xi32>, vector<16xi32>], vector<16xf32>,
          %add3A_1095 = arith.constant 80 : i32
          %add3A_1096 = vector.broadcast %add3A_1095 : i32 to vector<16xi32>
          %add3A_1097 = arith.addi %add3A_1096, %iota3A : vector<16xi32>
          %scatter3A_1098 = arith.constant 0 : i32
          %scatter3A_1099 = arith.constant 0 : i32
          %scatter3A_1100 = arith.constant 0 : i32
          %scatter3A_1101 = tpu.memref_slice %arg7[%rem3A_479, %scatter3A_1098, %scatter3A_1099, %scatter3A_1100] : memref<5x8x8x128xf32, #tpu.memory_space<vmem>> -> memref<1x8x8x128xf32, #tpu.memory_space<vmem>>
          %scatter3A_1102 = tpu.memref_squeeze %scatter3A_1101 : memref<1x8x8x128xf32, #tpu.memory_space<vmem>> -> memref<8x8x128xf32, #tpu.memory_space<vmem>>
          tpu.vector_store_idx %scatter3A_1102[%shift_right_logical3A_979, %and3A_982, %add3A_1097], %gather3A_1036 : memref<8x8x128xf32, #tpu.memory_space<vmem>>[vector<16xi32>, vector<16xi32>, vector<16xi32>], vector<16xf32>,
          %add3A_1103 = arith.constant 96 : i32
          %add3A_1104 = vector.broadcast %add3A_1103 : i32 to vector<16xi32>
          %add3A_1105 = arith.addi %add3A_1104, %iota3A : vector<16xi32>
          %scatter3A_1106 = arith.constant 0 : i32
          %scatter3A_1107 = arith.constant 0 : i32
          %scatter3A_1108 = arith.constant 0 : i32
          %scatter3A_1109 = tpu.memref_slice %arg7[%rem3A_479, %scatter3A_1106, %scatter3A_1107, %scatter3A_1108] : memref<5x8x8x128xf32, #tpu.memory_space<vmem>> -> memref<1x8x8x128xf32, #tpu.memory_space<vmem>>
          %scatter3A_1110 = tpu.memref_squeeze %scatter3A_1109 : memref<1x8x8x128xf32, #tpu.memory_space<vmem>> -> memref<8x8x128xf32, #tpu.memory_space<vmem>>
          tpu.vector_store_idx %scatter3A_1110[%shift_right_logical3A_979, %and3A_982, %add3A_1105], %gather3A_1045 : memref<8x8x128xf32, #tpu.memory_space<vmem>>[vector<16xi32>, vector<16xi32>, vector<16xi32>], vector<16xf32>,
          %add3A_1111 = arith.constant 112 : i32
          %add3A_1112 = vector.broadcast %add3A_1111 : i32 to vector<16xi32>
          %add3A_1113 = arith.addi %add3A_1112, %iota3A : vector<16xi32>
          %scatter3A_1114 = arith.constant 0 : i32
          %scatter3A_1115 = arith.constant 0 : i32
          %scatter3A_1116 = arith.constant 0 : i32
          %scatter3A_1117 = tpu.memref_slice %arg7[%rem3A_479, %scatter3A_1114, %scatter3A_1115, %scatter3A_1116] : memref<5x8x8x128xf32, #tpu.memory_space<vmem>> -> memref<1x8x8x128xf32, #tpu.memory_space<vmem>>
          %scatter3A_1118 = tpu.memref_squeeze %scatter3A_1117 : memref<1x8x8x128xf32, #tpu.memory_space<vmem>> -> memref<8x8x128xf32, #tpu.memory_space<vmem>>
          tpu.vector_store_idx %scatter3A_1118[%shift_right_logical3A_979, %and3A_982, %add3A_1113], %gather3A_1054 : memref<8x8x128xf32, #tpu.memory_space<vmem>>[vector<16xi32>, vector<16xi32>, vector<16xi32>], vector<16xf32>,
        }
        %scan3A_491 = arith.constant 16 : i32
        %add3A_492 = arith.addi %mul3A_2, %add3A_477 : i32
        %jit3A_493 = arith.constant 128 : i32
        %div3A_494 = arith.divsi %add3A_492, %jit3A_493 : i32
        %sign3A_495 = arith.constant 0 : i32
        %sign3A_496 = arith.cmpi sgt, %add3A_492, %sign3A_495 : i32
        %sign3A_497 = arith.extui %sign3A_496 : i1 to i32
        %sign3A_498 = arith.constant 0 : i32
        %sign3A_499 = arith.cmpi slt, %add3A_492, %sign3A_498 : i32
        %sign3A_500 = arith.extui %sign3A_499 : i1 to i32
        %sign3A_501 = arith.subi %sign3A_497, %sign3A_500 : i32
        %sign3A_502 = arith.constant 0 : i32
        %sign3A_503 = arith.cmpi sgt, %jit3A_493, %sign3A_502 : i32
        %sign3A_504 = arith.extui %sign3A_503 : i1 to i32
        %sign3A_505 = arith.constant 0 : i32
        %sign3A_506 = arith.cmpi slt, %jit3A_493, %sign3A_505 : i32
        %sign3A_507 = arith.extui %sign3A_506 : i1 to i32
        %sign3A_508 = arith.subi %sign3A_504, %sign3A_507 : i32
        %ne3A_509 = arith.cmpi ne, %sign3A_501, %sign3A_508 : i32
        %rem3A_510 = arith.remsi %add3A_492, %jit3A_493 : i32
        %ne3A_511 = arith.constant 0 : i32
        %ne3A_512 = arith.cmpi ne, %rem3A_510, %ne3A_511 : i32
        %and3A_513 = arith.andi %ne3A_509, %ne3A_512 : i1
        %sub3A_514 = arith.constant 1 : i32
        %sub3A_515 = arith.subi %div3A_494, %sub3A_514 : i32
        %select_n3A_516 = arith.select %and3A_513, %sub3A_515, %div3A_494 : i32
        %mul3A_517 = arith.constant 128 : i32
        %mul3A_518 = arith.muli %select_n3A_516, %mul3A_517 : i32
        %sub3A_519 = arith.subi %add3A_492, %mul3A_518 : i32
        %dma_start3A_520 = arith.constant 0 : i32
        %dma_start3A_521 = arith.constant 0 : i32
        %dma_start3A_522 = arith.constant 0 : i32
        %dma_start3A_523 = tpu.memref_slice %arg7[%rem3A_479, %dma_start3A_520, %dma_start3A_521, %dma_start3A_522] : memref<5x8x8x128xf32, #tpu.memory_space<vmem>> -> memref<1x8x8x128xf32, #tpu.memory_space<vmem>>
        %dma_start3A_524 = tpu.memref_squeeze %dma_start3A_523 : memref<1x8x8x128xf32, #tpu.memory_space<vmem>> -> memref<8x8x128xf32, #tpu.memory_space<vmem>>
        %dma_start3A_525 = arith.constant 0 : i32
        %dma_start3A_526 = arith.constant 0 : i32
        %dma_start3A_527 = arith.constant 0 : i32
        %dma_start3A_528 = tpu.memref_slice %arg4[%select_n3A_516, %dma_start3A_525, %sub3A_519, %dma_start3A_526, %dma_start3A_527] : memref<200x8x128x8x128xf32, #tpu.memory_space<hbm>> -> memref<1x8x1x8x128xf32, #tpu.memory_space<hbm>>
        %dma_start3A_529 = tpu.memref_squeeze %dma_start3A_528 : memref<1x8x1x8x128xf32, #tpu.memory_space<hbm>> -> memref<8x8x128xf32, #tpu.memory_space<hbm>>
        %dma_start3A_530 = arith.constant 0 : i32
        %dma_start3A_531 = arith.constant 0 : i32
        %dma_start3A_532 = arith.constant 0 : i32
        %dma_start3A_533 = tpu.memref_slice %arg4[%select_n3A_516, %dma_start3A_530, %sub3A_519, %dma_start3A_531, %dma_start3A_532] : memref<200x8x128x8x128xf32, #tpu.memory_space<hbm>> -> memref<1x8x1x8x128xf32, #tpu.memory_space<hbm>>
        %dma_start3A_534 = tpu.memref_squeeze %dma_start3A_533 : memref<1x8x1x8x128xf32, #tpu.memory_space<hbm>> -> memref<8x8x128xf32, #tpu.memory_space<hbm>>
        %dma_start3A_535 = arith.constant 0 : i32
        %dma_start3A_536 = arith.constant 0 : i32
        %dma_start3A_537 = arith.constant 0 : i32
        %dma_start3A_538 = tpu.memref_slice %arg7[%rem3A_479, %dma_start3A_535, %dma_start3A_536, %dma_start3A_537] : memref<5x8x8x128xf32, #tpu.memory_space<vmem>> -> memref<1x8x8x128xf32, #tpu.memory_space<vmem>>
        %dma_start3A_539 = tpu.memref_squeeze %dma_start3A_538 : memref<1x8x8x128xf32, #tpu.memory_space<vmem>> -> memref<8x8x128xf32, #tpu.memory_space<vmem>>
        tpu.enqueue_dma source(%dma_start3A_539 : memref<8x8x128xf32, #tpu.memory_space<vmem>>) target(%dma_start3A_534 : memref<8x8x128xf32, #tpu.memory_space<hbm>>) target_semaphore(%arg10 : memref<!tpu.dma_semaphore, #tpu.memory_space<semaphore_mem>>)
      }
      %scan3A_473 = arith.constant 4 : i32
    }
    %scan3A_179 = arith.constant 200 : i32
    %rem3A_180 = arith.constant 795 : i32
    %rem3A_181 = arith.constant 5 : i32
    %rem3A_182 = arith.remsi %rem3A_180, %rem3A_181 : i32
    %add3A_183 = arith.constant 795 : i32
    %add3A_184 = arith.addi %mul3A_2, %add3A_183 : i32
    %jit3A_185 = arith.constant 128 : i32
    %div3A_186 = arith.divsi %add3A_184, %jit3A_185 : i32
    %sign3A_187 = arith.constant 0 : i32
    %sign3A_188 = arith.cmpi sgt, %add3A_184, %sign3A_187 : i32
    %sign3A_189 = arith.extui %sign3A_188 : i1 to i32
    %sign3A_190 = arith.constant 0 : i32
    %sign3A_191 = arith.cmpi slt, %add3A_184, %sign3A_190 : i32
    %sign3A_192 = arith.extui %sign3A_191 : i1 to i32
    %sign3A_193 = arith.subi %sign3A_189, %sign3A_192 : i32
    %sign3A_194 = arith.constant 0 : i32
    %sign3A_195 = arith.cmpi sgt, %jit3A_185, %sign3A_194 : i32
    %sign3A_196 = arith.extui %sign3A_195 : i1 to i32
    %sign3A_197 = arith.constant 0 : i32
    %sign3A_198 = arith.cmpi slt, %jit3A_185, %sign3A_197 : i32
    %sign3A_199 = arith.extui %sign3A_198 : i1 to i32
    %sign3A_200 = arith.subi %sign3A_196, %sign3A_199 : i32
    %ne3A_201 = arith.cmpi ne, %sign3A_193, %sign3A_200 : i32
    %rem3A_202 = arith.remsi %add3A_184, %jit3A_185 : i32
    %ne3A_203 = arith.constant 0 : i32
    %ne3A_204 = arith.cmpi ne, %rem3A_202, %ne3A_203 : i32
    %and3A_205 = arith.andi %ne3A_201, %ne3A_204 : i1
    %sub3A_206 = arith.constant 1 : i32
    %sub3A_207 = arith.subi %div3A_186, %sub3A_206 : i32
    %select_n3A_208 = arith.select %and3A_205, %sub3A_207, %div3A_186 : i32
    %mul3A_209 = arith.constant 128 : i32
    %mul3A_210 = arith.muli %select_n3A_208, %mul3A_209 : i32
    %sub3A_211 = arith.subi %add3A_184, %mul3A_210 : i32
    %dma_wait3A_212 = arith.constant 0 : i32
    %dma_wait3A_213 = arith.constant 0 : i32
    %dma_wait3A_214 = arith.constant 0 : i32
    %dma_wait3A_215 = tpu.memref_slice %arg7[%rem3A_182, %dma_wait3A_212, %dma_wait3A_213, %dma_wait3A_214] : memref<5x8x8x128xf32, #tpu.memory_space<vmem>> -> memref<1x8x8x128xf32, #tpu.memory_space<vmem>>
    %dma_wait3A_216 = tpu.memref_squeeze %dma_wait3A_215 : memref<1x8x8x128xf32, #tpu.memory_space<vmem>> -> memref<8x8x128xf32, #tpu.memory_space<vmem>>
    %dma_wait3A_217 = arith.constant 0 : i32
    %dma_wait3A_218 = arith.constant 0 : i32
    %dma_wait3A_219 = arith.constant 0 : i32
    %dma_wait3A_220 = tpu.memref_slice %arg4[%select_n3A_208, %dma_wait3A_217, %sub3A_211, %dma_wait3A_218, %dma_wait3A_219] : memref<200x8x128x8x128xf32, #tpu.memory_space<hbm>> -> memref<1x8x1x8x128xf32, #tpu.memory_space<hbm>>
    %dma_wait3A_221 = tpu.memref_squeeze %dma_wait3A_220 : memref<1x8x1x8x128xf32, #tpu.memory_space<hbm>> -> memref<8x8x128xf32, #tpu.memory_space<hbm>>
    %dma_wait3A_222 = arith.constant 0 : i32
    %dma_wait3A_223 = arith.constant 0 : i32
    %dma_wait3A_224 = arith.constant 0 : i32
    %dma_wait3A_225 = tpu.memref_slice %arg4[%select_n3A_208, %dma_wait3A_222, %sub3A_211, %dma_wait3A_223, %dma_wait3A_224] : memref<200x8x128x8x128xf32, #tpu.memory_space<hbm>> -> memref<1x8x1x8x128xf32, #tpu.memory_space<hbm>>
    %dma_wait3A_226 = tpu.memref_squeeze %dma_wait3A_225 : memref<1x8x1x8x128xf32, #tpu.memory_space<hbm>> -> memref<8x8x128xf32, #tpu.memory_space<hbm>>
    %dma_wait3A_227 = arith.constant 0 : i32
    %dma_wait3A_228 = arith.constant 0 : i32
    %dma_wait3A_229 = arith.constant 0 : i32
    %dma_wait3A_230 = tpu.memref_slice %arg7[%rem3A_182, %dma_wait3A_227, %dma_wait3A_228, %dma_wait3A_229] : memref<5x8x8x128xf32, #tpu.memory_space<vmem>> -> memref<1x8x8x128xf32, #tpu.memory_space<vmem>>
    %dma_wait3A_231 = tpu.memref_squeeze %dma_wait3A_230 : memref<1x8x8x128xf32, #tpu.memory_space<vmem>> -> memref<8x8x128xf32, #tpu.memory_space<vmem>>
    tpu.wait_dma2 semaphore(%arg10 : memref<!tpu.dma_semaphore, #tpu.memory_space<semaphore_mem>>) src(%dma_wait3A_231 : memref<8x8x128xf32, #tpu.memory_space<vmem>>) dst(%dma_wait3A_226 : memref<8x8x128xf32, #tpu.memory_space<hbm>>)
    %rem3A_232 = arith.constant 796 : i32
    %rem3A_233 = arith.constant 5 : i32
    %rem3A_234 = arith.remsi %rem3A_232, %rem3A_233 : i32
    %add3A_235 = arith.constant 796 : i32
    %add3A_236 = arith.addi %mul3A_2, %add3A_235 : i32
    %jit3A_237 = arith.constant 128 : i32
    %div3A_238 = arith.divsi %add3A_236, %jit3A_237 : i32
    %sign3A_239 = arith.constant 0 : i32
    %sign3A_240 = arith.cmpi sgt, %add3A_236, %sign3A_239 : i32
    %sign3A_241 = arith.extui %sign3A_240 : i1 to i32
    %sign3A_242 = arith.constant 0 : i32
    %sign3A_243 = arith.cmpi slt, %add3A_236, %sign3A_242 : i32
    %sign3A_244 = arith.extui %sign3A_243 : i1 to i32
    %sign3A_245 = arith.subi %sign3A_241, %sign3A_244 : i32
    %sign3A_246 = arith.constant 0 : i32
    %sign3A_247 = arith.cmpi sgt, %jit3A_237, %sign3A_246 : i32
    %sign3A_248 = arith.extui %sign3A_247 : i1 to i32
    %sign3A_249 = arith.constant 0 : i32
    %sign3A_250 = arith.cmpi slt, %jit3A_237, %sign3A_249 : i32
    %sign3A_251 = arith.extui %sign3A_250 : i1 to i32
    %sign3A_252 = arith.subi %sign3A_248, %sign3A_251 : i32
    %ne3A_253 = arith.cmpi ne, %sign3A_245, %sign3A_252 : i32
    %rem3A_254 = arith.remsi %add3A_236, %jit3A_237 : i32
    %ne3A_255 = arith.constant 0 : i32
    %ne3A_256 = arith.cmpi ne, %rem3A_254, %ne3A_255 : i32
    %and3A_257 = arith.andi %ne3A_253, %ne3A_256 : i1
    %sub3A_258 = arith.constant 1 : i32
    %sub3A_259 = arith.subi %div3A_238, %sub3A_258 : i32
    %select_n3A_260 = arith.select %and3A_257, %sub3A_259, %div3A_238 : i32
    %mul3A_261 = arith.constant 128 : i32
    %mul3A_262 = arith.muli %select_n3A_260, %mul3A_261 : i32
    %sub3A_263 = arith.subi %add3A_236, %mul3A_262 : i32
    %dma_wait3A_264 = arith.constant 0 : i32
    %dma_wait3A_265 = arith.constant 0 : i32
    %dma_wait3A_266 = arith.constant 0 : i32
    %dma_wait3A_267 = tpu.memref_slice %arg7[%rem3A_234, %dma_wait3A_264, %dma_wait3A_265, %dma_wait3A_266] : memref<5x8x8x128xf32, #tpu.memory_space<vmem>> -> memref<1x8x8x128xf32, #tpu.memory_space<vmem>>
    %dma_wait3A_268 = tpu.memref_squeeze %dma_wait3A_267 : memref<1x8x8x128xf32, #tpu.memory_space<vmem>> -> memref<8x8x128xf32, #tpu.memory_space<vmem>>
    %dma_wait3A_269 = arith.constant 0 : i32
    %dma_wait3A_270 = arith.constant 0 : i32
    %dma_wait3A_271 = arith.constant 0 : i32
    %dma_wait3A_272 = tpu.memref_slice %arg4[%select_n3A_260, %dma_wait3A_269, %sub3A_263, %dma_wait3A_270, %dma_wait3A_271] : memref<200x8x128x8x128xf32, #tpu.memory_space<hbm>> -> memref<1x8x1x8x128xf32, #tpu.memory_space<hbm>>
    %dma_wait3A_273 = tpu.memref_squeeze %dma_wait3A_272 : memref<1x8x1x8x128xf32, #tpu.memory_space<hbm>> -> memref<8x8x128xf32, #tpu.memory_space<hbm>>
    %dma_wait3A_274 = arith.constant 0 : i32
    %dma_wait3A_275 = arith.constant 0 : i32
    %dma_wait3A_276 = arith.constant 0 : i32
    %dma_wait3A_277 = tpu.memref_slice %arg4[%select_n3A_260, %dma_wait3A_274, %sub3A_263, %dma_wait3A_275, %dma_wait3A_276] : memref<200x8x128x8x128xf32, #tpu.memory_space<hbm>> -> memref<1x8x1x8x128xf32, #tpu.memory_space<hbm>>
    %dma_wait3A_278 = tpu.memref_squeeze %dma_wait3A_277 : memref<1x8x1x8x128xf32, #tpu.memory_space<hbm>> -> memref<8x8x128xf32, #tpu.memory_space<hbm>>
    %dma_wait3A_279 = arith.constant 0 : i32
    %dma_wait3A_280 = arith.constant 0 : i32
    %dma_wait3A_281 = arith.constant 0 : i32
    %dma_wait3A_282 = tpu.memref_slice %arg7[%rem3A_234, %dma_wait3A_279, %dma_wait3A_280, %dma_wait3A_281] : memref<5x8x8x128xf32, #tpu.memory_space<vmem>> -> memref<1x8x8x128xf32, #tpu.memory_space<vmem>>
    %dma_wait3A_283 = tpu.memref_squeeze %dma_wait3A_282 : memref<1x8x8x128xf32, #tpu.memory_space<vmem>> -> memref<8x8x128xf32, #tpu.memory_space<vmem>>
    tpu.wait_dma2 semaphore(%arg10 : memref<!tpu.dma_semaphore, #tpu.memory_space<semaphore_mem>>) src(%dma_wait3A_283 : memref<8x8x128xf32, #tpu.memory_space<vmem>>) dst(%dma_wait3A_278 : memref<8x8x128xf32, #tpu.memory_space<hbm>>)
    %rem3A_284 = arith.constant 797 : i32
    %rem3A_285 = arith.constant 5 : i32
    %rem3A_286 = arith.remsi %rem3A_284, %rem3A_285 : i32
    %add3A_287 = arith.constant 797 : i32
    %add3A_288 = arith.addi %mul3A_2, %add3A_287 : i32
    %jit3A_289 = arith.constant 128 : i32
    %div3A_290 = arith.divsi %add3A_288, %jit3A_289 : i32
    %sign3A_291 = arith.constant 0 : i32
    %sign3A_292 = arith.cmpi sgt, %add3A_288, %sign3A_291 : i32
    %sign3A_293 = arith.extui %sign3A_292 : i1 to i32
    %sign3A_294 = arith.constant 0 : i32
    %sign3A_295 = arith.cmpi slt, %add3A_288, %sign3A_294 : i32
    %sign3A_296 = arith.extui %sign3A_295 : i1 to i32
    %sign3A_297 = arith.subi %sign3A_293, %sign3A_296 : i32
    %sign3A_298 = arith.constant 0 : i32
    %sign3A_299 = arith.cmpi sgt, %jit3A_289, %sign3A_298 : i32
    %sign3A_300 = arith.extui %sign3A_299 : i1 to i32
    %sign3A_301 = arith.constant 0 : i32
    %sign3A_302 = arith.cmpi slt, %jit3A_289, %sign3A_301 : i32
    %sign3A_303 = arith.extui %sign3A_302 : i1 to i32
    %sign3A_304 = arith.subi %sign3A_300, %sign3A_303 : i32
    %ne3A_305 = arith.cmpi ne, %sign3A_297, %sign3A_304 : i32
    %rem3A_306 = arith.remsi %add3A_288, %jit3A_289 : i32
    %ne3A_307 = arith.constant 0 : i32
    %ne3A_308 = arith.cmpi ne, %rem3A_306, %ne3A_307 : i32
    %and3A_309 = arith.andi %ne3A_305, %ne3A_308 : i1
    %sub3A_310 = arith.constant 1 : i32
    %sub3A_311 = arith.subi %div3A_290, %sub3A_310 : i32
    %select_n3A_312 = arith.select %and3A_309, %sub3A_311, %div3A_290 : i32
    %mul3A_313 = arith.constant 128 : i32
    %mul3A_314 = arith.muli %select_n3A_312, %mul3A_313 : i32
    %sub3A_315 = arith.subi %add3A_288, %mul3A_314 : i32
    %dma_wait3A_316 = arith.constant 0 : i32
    %dma_wait3A_317 = arith.constant 0 : i32
    %dma_wait3A_318 = arith.constant 0 : i32
    %dma_wait3A_319 = tpu.memref_slice %arg7[%rem3A_286, %dma_wait3A_316, %dma_wait3A_317, %dma_wait3A_318] : memref<5x8x8x128xf32, #tpu.memory_space<vmem>> -> memref<1x8x8x128xf32, #tpu.memory_space<vmem>>
    %dma_wait3A_320 = tpu.memref_squeeze %dma_wait3A_319 : memref<1x8x8x128xf32, #tpu.memory_space<vmem>> -> memref<8x8x128xf32, #tpu.memory_space<vmem>>
    %dma_wait3A_321 = arith.constant 0 : i32
    %dma_wait3A_322 = arith.constant 0 : i32
    %dma_wait3A_323 = arith.constant 0 : i32
    %dma_wait3A_324 = tpu.memref_slice %arg4[%select_n3A_312, %dma_wait3A_321, %sub3A_315, %dma_wait3A_322, %dma_wait3A_323] : memref<200x8x128x8x128xf32, #tpu.memory_space<hbm>> -> memref<1x8x1x8x128xf32, #tpu.memory_space<hbm>>
    %dma_wait3A_325 = tpu.memref_squeeze %dma_wait3A_324 : memref<1x8x1x8x128xf32, #tpu.memory_space<hbm>> -> memref<8x8x128xf32, #tpu.memory_space<hbm>>
    %dma_wait3A_326 = arith.constant 0 : i32
    %dma_wait3A_327 = arith.constant 0 : i32
    %dma_wait3A_328 = arith.constant 0 : i32
    %dma_wait3A_329 = tpu.memref_slice %arg4[%select_n3A_312, %dma_wait3A_326, %sub3A_315, %dma_wait3A_327, %dma_wait3A_328] : memref<200x8x128x8x128xf32, #tpu.memory_space<hbm>> -> memref<1x8x1x8x128xf32, #tpu.memory_space<hbm>>
    %dma_wait3A_330 = tpu.memref_squeeze %dma_wait3A_329 : memref<1x8x1x8x128xf32, #tpu.memory_space<hbm>> -> memref<8x8x128xf32, #tpu.memory_space<hbm>>
    %dma_wait3A_331 = arith.constant 0 : i32
    %dma_wait3A_332 = arith.constant 0 : i32
    %dma_wait3A_333 = arith.constant 0 : i32
    %dma_wait3A_334 = tpu.memref_slice %arg7[%rem3A_286, %dma_wait3A_331, %dma_wait3A_332, %dma_wait3A_333] : memref<5x8x8x128xf32, #tpu.memory_space<vmem>> -> memref<1x8x8x128xf32, #tpu.memory_space<vmem>>
    %dma_wait3A_335 = tpu.memref_squeeze %dma_wait3A_334 : memref<1x8x8x128xf32, #tpu.memory_space<vmem>> -> memref<8x8x128xf32, #tpu.memory_space<vmem>>
    tpu.wait_dma2 semaphore(%arg10 : memref<!tpu.dma_semaphore, #tpu.memory_space<semaphore_mem>>) src(%dma_wait3A_335 : memref<8x8x128xf32, #tpu.memory_space<vmem>>) dst(%dma_wait3A_330 : memref<8x8x128xf32, #tpu.memory_space<hbm>>)
    %rem3A_336 = arith.constant 798 : i32
    %rem3A_337 = arith.constant 5 : i32
    %rem3A_338 = arith.remsi %rem3A_336, %rem3A_337 : i32
    %add3A_339 = arith.constant 798 : i32
    %add3A_340 = arith.addi %mul3A_2, %add3A_339 : i32
    %jit3A_341 = arith.constant 128 : i32
    %div3A_342 = arith.divsi %add3A_340, %jit3A_341 : i32
    %sign3A_343 = arith.constant 0 : i32
    %sign3A_344 = arith.cmpi sgt, %add3A_340, %sign3A_343 : i32
    %sign3A_345 = arith.extui %sign3A_344 : i1 to i32
    %sign3A_346 = arith.constant 0 : i32
    %sign3A_347 = arith.cmpi slt, %add3A_340, %sign3A_346 : i32
    %sign3A_348 = arith.extui %sign3A_347 : i1 to i32
    %sign3A_349 = arith.subi %sign3A_345, %sign3A_348 : i32
    %sign3A_350 = arith.constant 0 : i32
    %sign3A_351 = arith.cmpi sgt, %jit3A_341, %sign3A_350 : i32
    %sign3A_352 = arith.extui %sign3A_351 : i1 to i32
    %sign3A_353 = arith.constant 0 : i32
    %sign3A_354 = arith.cmpi slt, %jit3A_341, %sign3A_353 : i32
    %sign3A_355 = arith.extui %sign3A_354 : i1 to i32
    %sign3A_356 = arith.subi %sign3A_352, %sign3A_355 : i32
    %ne3A_357 = arith.cmpi ne, %sign3A_349, %sign3A_356 : i32
    %rem3A_358 = arith.remsi %add3A_340, %jit3A_341 : i32
    %ne3A_359 = arith.constant 0 : i32
    %ne3A_360 = arith.cmpi ne, %rem3A_358, %ne3A_359 : i32
    %and3A_361 = arith.andi %ne3A_357, %ne3A_360 : i1
    %sub3A_362 = arith.constant 1 : i32
    %sub3A_363 = arith.subi %div3A_342, %sub3A_362 : i32
    %select_n3A_364 = arith.select %and3A_361, %sub3A_363, %div3A_342 : i32
    %mul3A_365 = arith.constant 128 : i32
    %mul3A_366 = arith.muli %select_n3A_364, %mul3A_365 : i32
    %sub3A_367 = arith.subi %add3A_340, %mul3A_366 : i32
    %dma_wait3A_368 = arith.constant 0 : i32
    %dma_wait3A_369 = arith.constant 0 : i32
    %dma_wait3A_370 = arith.constant 0 : i32
    %dma_wait3A_371 = tpu.memref_slice %arg7[%rem3A_338, %dma_wait3A_368, %dma_wait3A_369, %dma_wait3A_370] : memref<5x8x8x128xf32, #tpu.memory_space<vmem>> -> memref<1x8x8x128xf32, #tpu.memory_space<vmem>>
    %dma_wait3A_372 = tpu.memref_squeeze %dma_wait3A_371 : memref<1x8x8x128xf32, #tpu.memory_space<vmem>> -> memref<8x8x128xf32, #tpu.memory_space<vmem>>
    %dma_wait3A_373 = arith.constant 0 : i32
    %dma_wait3A_374 = arith.constant 0 : i32
    %dma_wait3A_375 = arith.constant 0 : i32
    %dma_wait3A_376 = tpu.memref_slice %arg4[%select_n3A_364, %dma_wait3A_373, %sub3A_367, %dma_wait3A_374, %dma_wait3A_375] : memref<200x8x128x8x128xf32, #tpu.memory_space<hbm>> -> memref<1x8x1x8x128xf32, #tpu.memory_space<hbm>>
    %dma_wait3A_377 = tpu.memref_squeeze %dma_wait3A_376 : memref<1x8x1x8x128xf32, #tpu.memory_space<hbm>> -> memref<8x8x128xf32, #tpu.memory_space<hbm>>
    %dma_wait3A_378 = arith.constant 0 : i32
    %dma_wait3A_379 = arith.constant 0 : i32
    %dma_wait3A_380 = arith.constant 0 : i32
    %dma_wait3A_381 = tpu.memref_slice %arg4[%select_n3A_364, %dma_wait3A_378, %sub3A_367, %dma_wait3A_379, %dma_wait3A_380] : memref<200x8x128x8x128xf32, #tpu.memory_space<hbm>> -> memref<1x8x1x8x128xf32, #tpu.memory_space<hbm>>
    %dma_wait3A_382 = tpu.memref_squeeze %dma_wait3A_381 : memref<1x8x1x8x128xf32, #tpu.memory_space<hbm>> -> memref<8x8x128xf32, #tpu.memory_space<hbm>>
    %dma_wait3A_383 = arith.constant 0 : i32
    %dma_wait3A_384 = arith.constant 0 : i32
    %dma_wait3A_385 = arith.constant 0 : i32
    %dma_wait3A_386 = tpu.memref_slice %arg7[%rem3A_338, %dma_wait3A_383, %dma_wait3A_384, %dma_wait3A_385] : memref<5x8x8x128xf32, #tpu.memory_space<vmem>> -> memref<1x8x8x128xf32, #tpu.memory_space<vmem>>
    %dma_wait3A_387 = tpu.memref_squeeze %dma_wait3A_386 : memref<1x8x8x128xf32, #tpu.memory_space<vmem>> -> memref<8x8x128xf32, #tpu.memory_space<vmem>>
    tpu.wait_dma2 semaphore(%arg10 : memref<!tpu.dma_semaphore, #tpu.memory_space<semaphore_mem>>) src(%dma_wait3A_387 : memref<8x8x128xf32, #tpu.memory_space<vmem>>) dst(%dma_wait3A_382 : memref<8x8x128xf32, #tpu.memory_space<hbm>>)
    %rem3A_388 = arith.constant 799 : i32
    %rem3A_389 = arith.constant 5 : i32
    %rem3A_390 = arith.remsi %rem3A_388, %rem3A_389 : i32
    %add3A_391 = arith.constant 799 : i32
    %add3A_392 = arith.addi %mul3A_2, %add3A_391 : i32
    %jit3A_393 = arith.constant 128 : i32
    %div3A_394 = arith.divsi %add3A_392, %jit3A_393 : i32
    %sign3A_395 = arith.constant 0 : i32
    %sign3A_396 = arith.cmpi sgt, %add3A_392, %sign3A_395 : i32
    %sign3A_397 = arith.extui %sign3A_396 : i1 to i32
    %sign3A_398 = arith.constant 0 : i32
    %sign3A_399 = arith.cmpi slt, %add3A_392, %sign3A_398 : i32
    %sign3A_400 = arith.extui %sign3A_399 : i1 to i32
    %sign3A_401 = arith.subi %sign3A_397, %sign3A_400 : i32
    %sign3A_402 = arith.constant 0 : i32
    %sign3A_403 = arith.cmpi sgt, %jit3A_393, %sign3A_402 : i32
    %sign3A_404 = arith.extui %sign3A_403 : i1 to i32
    %sign3A_405 = arith.constant 0 : i32
    %sign3A_406 = arith.cmpi slt, %jit3A_393, %sign3A_405 : i32
    %sign3A_407 = arith.extui %sign3A_406 : i1 to i32
    %sign3A_408 = arith.subi %sign3A_404, %sign3A_407 : i32
    %ne3A_409 = arith.cmpi ne, %sign3A_401, %sign3A_408 : i32
    %rem3A_410 = arith.remsi %add3A_392, %jit3A_393 : i32
    %ne3A_411 = arith.constant 0 : i32
    %ne3A_412 = arith.cmpi ne, %rem3A_410, %ne3A_411 : i32
    %and3A_413 = arith.andi %ne3A_409, %ne3A_412 : i1
    %sub3A_414 = arith.constant 1 : i32
    %sub3A_415 = arith.subi %div3A_394, %sub3A_414 : i32
    %select_n3A_416 = arith.select %and3A_413, %sub3A_415, %div3A_394 : i32
    %mul3A_417 = arith.constant 128 : i32
    %mul3A_418 = arith.muli %select_n3A_416, %mul3A_417 : i32
    %sub3A_419 = arith.subi %add3A_392, %mul3A_418 : i32
    %dma_wait3A_420 = arith.constant 0 : i32
    %dma_wait3A_421 = arith.constant 0 : i32
    %dma_wait3A_422 = arith.constant 0 : i32
    %dma_wait3A_423 = tpu.memref_slice %arg7[%rem3A_390, %dma_wait3A_420, %dma_wait3A_421, %dma_wait3A_422] : memref<5x8x8x128xf32, #tpu.memory_space<vmem>> -> memref<1x8x8x128xf32, #tpu.memory_space<vmem>>
    %dma_wait3A_424 = tpu.memref_squeeze %dma_wait3A_423 : memref<1x8x8x128xf32, #tpu.memory_space<vmem>> -> memref<8x8x128xf32, #tpu.memory_space<vmem>>
    %dma_wait3A_425 = arith.constant 0 : i32
    %dma_wait3A_426 = arith.constant 0 : i32
    %dma_wait3A_427 = arith.constant 0 : i32
    %dma_wait3A_428 = tpu.memref_slice %arg4[%select_n3A_416, %dma_wait3A_425, %sub3A_419, %dma_wait3A_426, %dma_wait3A_427] : memref<200x8x128x8x128xf32, #tpu.memory_space<hbm>> -> memref<1x8x1x8x128xf32, #tpu.memory_space<hbm>>
    %dma_wait3A_429 = tpu.memref_squeeze %dma_wait3A_428 : memref<1x8x1x8x128xf32, #tpu.memory_space<hbm>> -> memref<8x8x128xf32, #tpu.memory_space<hbm>>
    %dma_wait3A_430 = arith.constant 0 : i32
    %dma_wait3A_431 = arith.constant 0 : i32
    %dma_wait3A_432 = arith.constant 0 : i32
    %dma_wait3A_433 = tpu.memref_slice %arg4[%select_n3A_416, %dma_wait3A_430, %sub3A_419, %dma_wait3A_431, %dma_wait3A_432] : memref<200x8x128x8x128xf32, #tpu.memory_space<hbm>> -> memref<1x8x1x8x128xf32, #tpu.memory_space<hbm>>
    %dma_wait3A_434 = tpu.memref_squeeze %dma_wait3A_433 : memref<1x8x1x8x128xf32, #tpu.memory_space<hbm>> -> memref<8x8x128xf32, #tpu.memory_space<hbm>>
    %dma_wait3A_435 = arith.constant 0 : i32
    %dma_wait3A_436 = arith.constant 0 : i32
    %dma_wait3A_437 = arith.constant 0 : i32
    %dma_wait3A_438 = tpu.memref_slice %arg7[%rem3A_390, %dma_wait3A_435, %dma_wait3A_436, %dma_wait3A_437] : memref<5x8x8x128xf32, #tpu.memory_space<vmem>> -> memref<1x8x8x128xf32, #tpu.memory_space<vmem>>
    %dma_wait3A_439 = tpu.memref_squeeze %dma_wait3A_438 : memref<1x8x8x128xf32, #tpu.memory_space<vmem>> -> memref<8x8x128xf32, #tpu.memory_space<vmem>>
    tpu.wait_dma2 semaphore(%arg10 : memref<!tpu.dma_semaphore, #tpu.memory_space<semaphore_mem>>) src(%dma_wait3A_439 : memref<8x8x128xf32, #tpu.memory_space<vmem>>) dst(%dma_wait3A_434 : memref<8x8x128xf32, #tpu.memory_space<hbm>>)
    return
  }
}

</mosaic_0001>

<sc_bundles>
// kernel: kernel.3.cloned.1.call-start
scs
__scs_entry_jumppad:
0x0: {  	(pc) =	sbr.rel $0x88, $3  }
0x1: {  	(tag) =	ssettag $0x0;
	lr =	simm.s32 $0x1  }
0x2: {  	[smem:$0x3F9F] =	sst lr;
	_ =	strace $0xD0000000  }
0x3: {  	_ = 	snop  }
0x4: {  	_ = 	snop  }
0x5: {  	_ = 	snop  }
0x6: {  	_ = 	snop  }
0x7: {  	_ = 	snop  }
__scs_overlays_trampoline_lowered:
0x8: {  	[smem:$0x3FAE] =	sst s0  }
0x9: {  	[smem:$0x3FAF] =	sst s1  }
0xa: {  	[smem:$0x3FB0] =	sst s2  }
0xb: {  	[smem:$0x3FB1] =	sst s3  }
0xc: {  	[smem:$0x3FB2] =	sst s4  }
0xd: {  	[smem:$0x3FB3] =	sst s5  }
0xe: {  	[smem:$0x3FB4] =	sst s6  }
0xf: {  	[smem:$0x3FB5] =	sst s7  }
0x10: {  	[smem:$0x3FB6] =	sst s8  }
0x11: {  	[smem:$0x3FB7] =	sst s9;
	s0 =	simm.s32 @!p0 $0x0  }
0x12: {  	s1 =	sld [smem:$0x3F9D];
	s0 =	simm.s32 @p0 $0x1  }
0x13: {  	[smem:$0x3FB8] =	sst s0;
	s0 =	simm.s32 @!p1 $0x0  }
0x14: {  	s2 =	sld [smem:$0x3F9C];
	s0 =	simm.s32 @p1 $0x1  }
0x15: {  	[smem:$0x3FB9] =	sst s0;
	s0 =	simm.s32 @!p2 $0x0  }
0x16: {  	s3 =	sld [smem:$0x3FDB];
	s0 =	simm.s32 @p2 $0x1  }
0x17: {  	s4 =	simm.s32 $0x1BF5;
	[smem:$0x3FBB] =	sst s0  }
0x18: {  	s0 =	sld [smem:$0x3F9E];
	_ =	swait.ge [sflag:s4], $0x0  }
0x19: {  	s7 =	sld [smem:$0x3F9F]  }
0x1a: {  	s8 =	sadd.s32 $0xFFFFE003, lr  }
0x1b: {  	s9 =	sadd.s32 $0xFFFFFEF7, lr;
	s5 =	simm.s32 $0xFFFFFFFF;
	p2 =	slt.u32 s8, $0xFFFFF086  }
0x1c: {  	p1 =	slt.u32 s9, $0xF7A;
	s5 =	simm.s32 @!p2 $0x0  }
0x1d: {  	s5 =	simm.s32 @p1 $0x1;
	p0 =	seq.s32 s7, s2  }
0x1e: {  	s7 =	smul.u32 @!p0 $0xF7A, s2;
	p2 =	seq.s32 @!p0 s5, $0x0  }
0x1f: {  	s9 =	smul.u32 $0xF7A, s1;
	s8 =	simm.s32 @!p0 $0x1BF5;
	p2 =	por !p2, p0  }
0x20: {  	[sflag:s8] =	ssyncset.s32 @!p0 $0xFFFFF086;
	s6 =	sadd.s32 @!p0 s3, s7;
	s7 =	simm.s32 @!p0 $0x108  }
0x21: {  	s3 =	sadd.s32 s3, s9;
	s6 =	sadd.s32 @!p0 $0x88, s6;
	s7 =	simm.s32 @p2 $0x1082  }
0x22: {  	[simem:s7], [sflag:s8] =	dma.local @!p0 [hbm:s6], $0xF7A  }
0x23: {  	s9 =	sor.u32 $0xD0000000, s2;
	s6 =	simm.s32 $0x108;
	_ =	swait.ge @!p0 [sflag:s8], $0x0  }
0x24: {  	s3 =	sadd.s32 $0x88, s3;
	s6 =	simm.s32 @!p1 $0x1082;
	[sflag:s4] =	ssyncset.s32 $0xFFFFF086  }
0x25: {  	[simem:s6], [sflag:s4] =	dma.local [hbm:s3], $0xF7A  }
0x26: {  	[smem:$0x3F9F] =	sst s1;
	(tag) =	ssettag s2;
	_ =	strace s9  }
0x27: {  	s1 =	sld [smem:$0x3FAF]  }
0x28: {  	s2 =	sld [smem:$0x3FB0]  }
0x29: {  	s4 =	sld [smem:$0x3FB2]  }
0x2a: {  	p0 =	seq.s32 s5, $0x0;
	s5 =	sld [smem:$0x3FB3]  }
0x2b: {  	s6 =	sld [smem:$0x3FB4]  }
0x2c: {  	s7 =	sld [smem:$0x3FB5]  }
0x2d: {  	s3 =	simm.s32 $0x108;
	s8 =	sld [smem:$0x3FB6]  }
0x2e: {  	s3 =	simm.s32 @!p0 $0x1082;
	s9 =	sld [smem:$0x3FB7]  }
0x2f: {  	lr =	sadd.s32 s0, s3;
	s0 =	sld [smem:$0x3FAE]  }
0x30: {  	s3 =	sld [smem:$0x3FB1]  }
0x31: {  	[smem:$0x3FBA] =	sst s10  }
0x32: {  	s10 =	sld [smem:$0x3FB8];
	_ =	sdelay $0x3  }
0x33: {  	p0 =	seq.s32 s10, $0x1;
	s10 =	sld [smem:$0x3FBA];
	_ =	sdelay $0x3  }
0x34: {  	[smem:$0x3FBA] =	sst s10  }
0x35: {  	s10 =	sld [smem:$0x3FB9];
	_ =	sdelay $0x3  }
0x36: {  	p1 =	seq.s32 s10, $0x1;
	s10 =	sld [smem:$0x3FBA];
	_ =	sdelay $0x3  }
0x37: {  	[smem:$0x3FBA] =	sst s10  }
0x38: {  	s10 =	sld [smem:$0x3FBB]  }
0x39: {  	_ = 	snop;
	(pc) =	sbr.ind lr, $3  }
0x3a: {  	_ = 	snop  }
0x3b: {  	_ = 	snop  }
0x3c: {  	p2 =	seq.s32 s10, $0x1;
	s10 =	sld [smem:$0x3FBA]  }
0x3d: {  	_ =	shalt  }
0x3e: {  	_ =	shalt  }
0x3f: {  	_ =	shalt  }
0x40: {  	_ =	shalt  }
0x41: {  	_ =	shalt  }
0x42: {  	_ =	shalt  }
0x43: {  	_ =	shalt  }
0x44: {  	_ =	shalt  }
0x45: {  	_ =	shalt  }
0x46: {  	_ =	shalt  }
0x47: {  	_ =	shalt  }
0x48: {  	_ =	shalt  }
0x49: {  	_ =	shalt  }
0x4a: {  	_ =	shalt  }
0x4b: {  	_ =	shalt  }
0x4c: {  	_ =	shalt  }
0x4d: {  	_ =	shalt  }
0x4e: {  	_ =	shalt  }
0x4f: {  	_ =	shalt  }
0x50: {  	_ =	shalt  }
0x51: {  	_ =	shalt  }
0x52: {  	_ =	shalt  }
0x53: {  	_ =	shalt  }
0x54: {  	_ =	shalt  }
0x55: {  	_ =	shalt  }
0x56: {  	_ =	shalt  }
0x57: {  	_ =	shalt  }
0x58: {  	_ =	shalt  }
0x59: {  	_ =	shalt  }
0x5a: {  	_ =	shalt  }
0x5b: {  	_ =	shalt  }
0x5c: {  	_ =	shalt  }
0x5d: {  	_ =	shalt  }
0x5e: {  	_ =	shalt  }
0x5f: {  	_ =	shalt  }
0x60: {  	_ =	shalt  }
0x61: {  	_ =	shalt  }
0x62: {  	_ =	shalt  }
0x63: {  	_ =	shalt  }
0x64: {  	_ =	shalt  }
0x65: {  	_ =	shalt  }
0x66: {  	_ =	shalt  }
0x67: {  	_ =	shalt  }
0x68: {  	_ =	shalt  }
0x69: {  	_ =	shalt  }
0x6a: {  	_ =	shalt  }
0x6b: {  	_ =	shalt  }
0x6c: {  	_ =	shalt  }
0x6d: {  	_ =	shalt  }
0x6e: {  	_ =	shalt  }
0x6f: {  	_ =	shalt  }
0x70: {  	_ =	shalt  }
0x71: {  	_ =	shalt  }
0x72: {  	_ =	shalt  }
0x73: {  	_ =	shalt  }
0x74: {  	_ =	shalt  }
0x75: {  	_ =	shalt  }
0x76: {  	_ =	shalt  }
0x77: {  	_ =	shalt  }
0x78: {  	_ =	shalt  }
0x79: {  	_ =	shalt  }
0x7a: {  	_ =	shalt  }
0x7b: {  	_ =	shalt  }
0x7c: {  	_ =	shalt  }
0x7d: {  	_ =	shalt  }
0x7e: {  	_ =	shalt  }
0x7f: {  	_ =	shalt  }
0x80: {  	_ =	shalt  }
0x81: {  	_ =	shalt  }
0x82: {  	_ =	shalt  }
0x83: {  	_ =	shalt  }
0x84: {  	_ =	shalt  }
0x85: {  	_ =	shalt  }
0x86: {  	_ =	shalt  }
0x87: {  	_ =	shalt  }
.Lfunc_end0:
.L_simem_size_0:
called_computation_lowered:
.L_overlay_start_0:
0x88: {  	s2 =	sld [smem:$0x3FD9]  }
0x89: {  	s3 =	sld [smem:$0x3FFE];
	_ =	sdelay $0x1  }
0x8a: {  	s1 =	srdreg.scid  }
0x8b: {  	s0 =	sand.u32 $0x1, s1  }
0x8c: {  	s17 =	sshll.u32 s0, $0xA;
	s2 =	sadd.s32 s3, s2  }
0x8d: {  	s2 =	sadd.s32 s2, s17  }
0x8e: {  	[smem:$0x3FC6] =	sst s2  }
0x8f: {  	_ = 	snop  }
0x90: {  	s2 =	sld [smem:$0x3FD0];
	(tm) =	ssettm $0x1  }
0x91: {  	s18 =	sld [smem:$0x3FFB];
	_ =	sdelay $0x3  }
0x92: {  	_ =	strace s18  }
0x93: {  	s3 =	sld [smem:$0x3FFC];
	_ =	sdelay $0x3  }
0x94: {  	_ =	strace s3  }
0x95: {  	s3 =	sld [smem:$0x3FFD];
	_ =	sdelay $0x3  }
0x96: {  	_ =	strace s3  }
0x97: {  	_ =	strace $0x8FFFFFFF  }
0x98: {  	s19 =	sld [smem:$0x3FDB];
	_ =	sdelay $0x1  }
0x99: {  	s4 =	simm.s32 $_scs_section_size  }
0x9a: {  	s5 =	simm.s32 $_size__tile_overlayer_lowered;
	s6 =	simm.s32 $_tile_overlayer_lowered  }
0x9b: {  	s22 =	simm.s32 $0x1BFF;
	s21 =	sshll.u32 s6, $0x1;
	s3 =	sadd.s32 s4, s19  }
0x9c: {  	s7 =	simm.s32 $0x0;
	s20 =	sshll.u32 s5, $0x1;
	s5 =	sadd.s32 s21, s3  }
0x9d: {  	[timem:s7], [sflag:s22] =	dma.local [hbm:s5], s20  }
0x9e: {  	_ =	swait.ge [sflag:s22], s20  }
0x9f: {  	s4 =	ssub.s32 $0x0, s20;
	[sflag:s22] =	ssyncset.done $0x0  }
0xa0: {  	[sflag:s22] =	ssyncadd.s32 s4;
	_ =	sdelay $0x1  }
0xa1: {  	s23 =	simm.s32 $0x1B8B  }
0xa2: {  	_ =	swait.ge [sflag:s23], $0x1  }
0xa3: {  	[sflag:s23] =	ssyncset.done $0x0  }
0xa4: {  	s25 =	simm.s32 $0x1B8E;
	s24 =	sld [smem:$0x3FFE];
	[sflag:s23] =	ssyncadd.s32 $0xFFFFFFFF  }
0xa5: {  	s26 =	simm.s32 $execute0_lowered;
	[smem:$0x3FD2] =	sst s25  }
0xa6: {  	s5 =	sshll.u32 s26, $0x1;
	_ =	strace $0x80000046;
	[dreg:$0x1] =	wrdreg $0xFFFFFFFF  }
0xa7: {  	s28 =	simm.s32 $_size_execute0_lowered;
	s3 =	sadd.s32 s3, s5;
	[dreg:$0x0] =	wrdreg $0x0  }
0xa8: {  	s5 =	sshll.u32 s28, $0x1;
	[dreg:$0x2] =	wrdreg s3  }
0xa9: {  	[dreg:$0x3] =	wrdreg s5  }
0xaa: {  	[dreg:$0x4] =	wrdreg $0xC0  }
0xab: {  	_ =	task [dreg:s7], $0x5FFFF  }
0xac: {  	[dreg:$0x1] =	wrdreg $0xFFFFFFFF  }
0xad: {  	[dreg:$0x0] =	wrdreg $0x60  }
0xae: {  	[dreg:$0x2] =	wrdreg s24  }
0xaf: {  	[dreg:$0x3] =	wrdreg s2  }
0xb0: {  	[dreg:$0x4] =	wrdreg $0x9  }
0xb1: {  	_ =	task.clear_ibuf [dreg:s7], $0x5FFFF;
	_ =	strace $0x90000046  }
0xb2: {  	s29 =	simm.s32 $0x9;
	_ =	strace $0x80000048  }
0xb3: {  	_ =	swait.ge [sflag:s29], $0x1  }
0xb4: {  	[sflag:s29] =	ssyncadd.s32 $0xFFFFFFFF  }
0xb5: {  	_ =	strace $0x90000048  }
0xb6: {  	_ =	sfence  }
0xb7: {  	s30 =	sld [smem:$0x0];
	_ =	sdelay $0x2  }
0xb8: {  	s31 =	sshll.u32 s1, $0xD;
	s1 =	sshrl.u32 s1, $0x2  }
0xb9: {  	s3 =	sand.u32 $0x4000, s31;
	s1 =	sadd.s32 s1, s30  }
0xba: {  	s0 =	sor.u32 s3, s0;
	s1 =	sshll.u32 s1, $0x11  }
0xbb: {  	s0 =	sor.u32 s1, s0  }
0xbc: {  	s0 =	sadd.s32 $0x8F2B, s0  }
0xbd: {  	[sflag:s0] =	ssyncadd.remote.s32 $0x1  }
0xbe: {  	_ =	sfence.sel $0xFFFF  }
0xbf: {  	[dreg:$0x0] =	wrdreg $0xFFFFFFFF;
	(pc) =	sbr.abs _section_cstart, $3  }
0xc0: {  	[dreg:$0x1] =	wrdreg $0xFFFFFFFF  }
0xc1: {  	_ =	task.clear_ibuf [dreg:s7], $0x2FFFF;
	_ =	strace $0x9FFFFFFF  }
0xc2: {  	(tm) =	ssettm $0x7FFFFFFF  }
0xc3: {  	_ =	shalt  }
tec
execute0_lowered:
.L_overlay_start_1:
0x0: {  	(tag) =	ssettag $0x1  }
0x1: {  	s6 =	rddreg [dreg:$0x0];
	s1 =	srdreg.scid  }
0x2: {  	s0 =	stileid.u32;
	s2 =	rddreg [dreg:$0x1]  }
0x3: {  	s3 =	simm.s32 $0x0;
	s12 =	simm.s32 $0x200;
	s13 =	simm.s32 $0x1  }
0x4: {  	s14 =	simm.s32 $0x800;
	s15 =	simm.s32 $0x400;
	s16 =	simm.s32 $0x2  }
0x5: {  	s17 =	simm.s32 $0x20000;
	s5 =	sand.u32 $0x1, s1;
	s4 =	sshll.u32 s0, $0x1  }
0x6: {  	s18 =	simm.s32 $0x3;
	s1 =	rddreg [dreg:$0x2];
	s8 =	sor.u32 s5, s4  }
0x7: {  	s19 =	simm.s32 $0x0;
	[smem:$0x7FF] =	sst s3;
	s4 =	smul.u32 $0x19000, s8  }
0x8: {  	v0 =	vlaneseq.u32;
	_ =	strace $0x80000047;
	s7 =	ssub.s32 $0x2, s5;
	s5 =	sadd.s32 $0x400, s6  }
0x9: {  	v1 =	vmul.u32 $0x40, v0;
	v2 =	vor.u32 $0x10, v0;
	s6 =	sadd.s32 $0x64400, s6;
	s9 =	sshrl.u32 s7, $0x1;
	s10 =	sshrl.u32 s4, $0x3  }
0xa: {  	v3 =	vor.u32 $0x20, v0;
	v4 =	vor.u32 $0x30, v0;
	v5 =	vor.u32 $0x40, v0;
	s8 =	smul.u32 $0x320, s8;
	s11 =	ssub.s32 s7, s9;
	s7 =	sadd.s32 s5, s10  }
0xb: {  	v6 =	vor.u32 $0x50, v0;
	v7 =	vor.u32 $0x60, v0;
	v8 =	vor.u32 $0x70, v0;
	s11 =	smax.u32 s11, $0x1;
	s9 =	sadd.s32 $0x40, s7;
	s10 =	sadd.s32 $0x80, s7  }
.LBB2_1:
0xc: {  	[tilespmem:s3], [sflag:$0x1] =	stream.linear.gather [hbm4b:s7+s3], $0x200, $0x38;
	[tilespmem:$0x1A800] =	vst v63  }
0xd: {  	_ = 	snop  }
0xe: {  	[tilespmem:s12], [sflag:$0x1] =	stream.linear.gather [hbm4b:s9+s3], $0x200, $0x38;
	[tilespmem:$0x1A800] =	vst v63  }
0xf: {  	_ =	swait.ge [sflag:s13], $0x200  }
0x10: {  	[sflag:s13] =	ssyncset.done $0x0  }
0x11: {  	[sflag:s13] =	ssyncadd.s32 $0xFFFFFE00  }
0x12: {  	[tilespmem:s14], [sflag:$0x2] =	stream.indirect.gather [hbm4b:s6+s12], $0x40, s3, s12, $0xb8;
	[tilespmem:$0x1A800] =	vst v63  }
0x13: {  	s20 =	simm.s32 $0x0  }
0x14: {  	[tilespmem:s15], [sflag:$0x1] =	stream.linear.gather [hbm4b:s10+s3], $0x200, $0x38;
	[tilespmem:$0x1A800] =	vst v63  }
.LBB2_3:
0x15: {  	s21 =	smov.u32 s20;
	_ =	swait.ge [sflag:s16], $0x8000  }
0x16: {  	p0 =	seq.s32 s20, $0xC7;
	s20 =	sadd.s32 $0x1, s20;
	[sflag:s16] =	ssyncset.done $0x0  }
0x17: {  	s22 =	simm.s32 @!p0 $0x1;
	s23 =	sand.u32 $0x1, s21;
	[sflag:s16] =	ssyncadd.s32 $0xFFFF8000  }
0x18: {  	s24 =	sshll.u32 @!p0 s20, $0x9;
	p1 =	sgt.u32 @!p0 s21, $0xC4;
	_ =	swait.ge @!p0 [sflag:s22], $0x200  }
0x19: {  	s24 =	sand.u32 @!p0 $0x600, s24;
	s25 =	sshll.u32 @!p0 s23, $0xF;
	[sflag:s22] =	ssyncset.done @!p0 $0x0  }
0x1a: {  	[sflag:s22] =	ssyncadd.s32 @!p0 $0xFFFFFE00;
	s22 =	sxor.u32 @!p0 $0x8800, s25;
	s25 =	simm.s32 @!p0 $0x200  }
0x1b: {  	[tilespmem:s22], [sflag:$0x2] =	stream.indirect.gather @!p0 [hbm4b:s6+s25], $0x40, s24, s25, $0xb8;
	[tilespmem:$0x1A800] =	vst v63  }
0x1c: {  	p0 =	por p1, p0  }
0x1d: {  	s22 =	sshll.u32 @!p0 s21, $0x9  }
0x1e: {  	s22 =	sadd.s32 @!p0 $0x600, s22  }
0x1f: {  	s24 =	sadd.s32 @!p0 s4, s22  }
0x20: {  	s31 =	sshll.u32 s23, $0xF;
	s23 =	simm.s32 $0x0;
	s24 =	sshrl.u32 @!p0 s24, $0x3  }
0x21: {  	s25 =	simm.s32 @!p0 $0x0;
	s22 =	sand.u32 @!p0 $0x600, s22;
	s24 =	sadd.s32 @!p0 s5, s24  }
0x22: {  	[tilespmem:s22], [sflag:$0x1] =	stream.linear.gather @!p0 [hbm4b:s24+s25], $0x200, $0x38;
	[tilespmem:$0x1A800] =	vst v63  }
0x23: {  	s21 =	sshll.u32 s21, $0x2;
	s22 =	sor.u32 $0x800, s31;
	s24 =	simm.s32 $0x0  }
.LBB2_4:
0x24: {  	s26 =	sshll.u32 s24, $0x7  }
0x25: {  	v17 =	vxor.u32 s23, v0;
	s25 =	sor.u32 $0x10, s26  }
0x26: {  	v9 =	vmov s26;
	s29 =	sor.u32 $0x20, s26;
	s30 =	sor.u32 $0x30, s26;
	v18 =	vand.u32 $0xF, v17;
	v10 =	vmov s25  }
0x27: {  	s28 =	sor.u32 $0x40, s26;
	v9 =	vshll.u32 v9, $0x6;
	v11 =	vmov s29;
	v12 =	vmov s30  }
0x28: {  	v13 =	vmov s28;
	v10 =	vshll.u32 v10, $0x6;
	v9 =	vor.u32 v1, v9  }
0x29: {  	s25 =	sadd.s32 s21, s24;
	s28 =	sor.u32 $0x60, s26;
	v11 =	vshll.u32 v11, $0x6;
	v12 =	vshll.u32 v12, $0x6;
	v15 =	vshll.u32 v13, $0x6  }
0x2a: {  	p0 =	slt.u32 s25, $0x5;
	v13 =	vmov s28;
	v10 =	vor.u32 v1, v10;
	v20 =	vor.u32 v9, v18  }
0x2b: {  	s28 =	sor.u32 $0x70, s26;
	v11 =	vor.u32 v1, v11;
	v12 =	vor.u32 v1, v12;
	s29 =	simm.s32 @!p0 $0x3;
	v16 =	vor.u32 v10, v18  }
0x2c: {  	v13 =	vshll.u32 v13, $0x6;
	v14 =	vmov s28;
	v19 =	vor.u32 v12, v18;
	_ =	swait.ge @!p0 [sflag:s29], $0x2000  }
0x2d: {  	s26 =	sor.u32 $0x50, s26;
	s28 =	smulhi.u32 $0xCCCCCCCD, s25;
	v13 =	vor.u32 v1, v13;
	v14 =	vshll.u32 v14, $0x6;
	v21 =	vor.u32 v11, v18;
	[sflag:s29] =	ssyncset.done @!p0 $0x0  }
0x2e: {  	v22 =	vmov s26;
	v14 =	vor.u32 v1, v14;
	v23 =	vor.u32 v13, v18;
	[sflag:s29] =	ssyncadd.s32 @!p0 $0xFFFFE000  }
0x2f: {  	v15 =	vor.u32 v1, v15;
	v22 =	vshll.u32 v22, $0x6;
	s31 =	sshrl.u32 s28, $0x2;
	v24 =	vor.u32 v14, v18;
	v20 =	vld.idx.msk [tilespmem:v20+s22+$0x0], $0xffff  }
0x30: {  	v26 =	vshll.u32 v17, $0x7;
	s26 =	smul.u32 $0x5, s31;
	v25 =	vld.idx.msk [tilespmem:v16+s22+$0x0], $0xffff;
	v16 =	vor.u32 v1, v22;
	v22 =	vor.u32 v15, v18  }
0x31: {  	v27 =	vor.u32 v0, v26;
	v19 =	vld.idx.msk [tilespmem:v19+s22+$0x0], $0xffff;
	v18 =	vor.u32 v16, v18  }
0x32: {  	v28 =	vor.u32 v2, v26;
	s26 =	ssub.s32 s25, s26;
	v21 =	vld.idx.msk [tilespmem:v21+s22+$0x0], $0xffff  }
0x33: {  	v29 =	vor.u32 v3, v26;
	s26 =	sshll.u32 s26, $0xD;
	v23 =	vld.idx.msk [tilespmem:v23+s22+$0x0], $0xffff  }
0x34: {  	v30 =	vor.u32 v4, v26;
	s26 =	sand.u32 $0x3FFFE000, s26;
	v24 =	vld.idx.msk [tilespmem:v24+s22+$0x0], $0xffff  }
0x35: {  	v31 =	vor.u32 v5, v26;
	s26 =	sadd.s32 $0x10800, s26;
	v22 =	vld.idx.msk [tilespmem:v22+s22+$0x0], $0xffff  }
0x36: {  	v18 =	vld.idx.msk [tilespmem:v18+s22+$0x0], $0xffff;
	[tilespmem:v27+s26+$0x0] =	vst.idx.msk $0xffff, v20;
	v20 =	vor.u32 v6, v26  }
0x37: {  	v27 =	vor.u32 $0x10, v17;
	[tilespmem:v28+s26+$0x0] =	vst.idx.msk $0xffff, v25;
	v25 =	vor.u32 v7, v26  }
0x38: {  	v28 =	vand.u32 $0x1F, v27;
	[tilespmem:v29+s26+$0x0] =	vst.idx.msk $0xffff, v21;
	v21 =	vor.u32 v8, v26  }
0x39: {  	[tilespmem:v30+s26+$0x0] =	vst.idx.msk $0xffff, v19;
	v19 =	vor.u32 v10, v28  }
0x3a: {  	[tilespmem:v31+s26+$0x0] =	vst.idx.msk $0xffff, v22;
	v22 =	vor.u32 v11, v28  }
0x3b: {  	[tilespmem:v20+s26+$0x0] =	vst.idx.msk $0xffff, v18;
	v18 =	vor.u32 v9, v28  }
0x3c: {  	v20 =	vor.u32 v14, v28;
	[tilespmem:v25+s26+$0x0] =	vst.idx.msk $0xffff, v23  }
0x3d: {  	v23 =	vshll.u32 v27, $0x7;
	v25 =	vand.u32 $0x380, v26;
	v26 =	vor.u32 v15, v28;
	[tilespmem:v21+s26+$0x0] =	vst.idx.msk $0xffff, v24  }
0x3e: {  	v24 =	vor.u32 v12, v28;
	v23 =	vand.u32 $0xC00, v23;
	v19 =	vld.idx.msk [tilespmem:v19+s22+$0x0], $0xffff  }
0x3f: {  	v27 =	vor.u32 v16, v28;
	v23 =	vor.u32 v25, v23;
	v22 =	vld.idx.msk [tilespmem:v22+s22+$0x0], $0xffff  }
0x40: {  	v21 =	vor.u32 v13, v28;
	v28 =	vor.u32 v0, v23;
	v18 =	vld.idx.msk [tilespmem:v18+s22+$0x0], $0xffff  }
0x41: {  	v29 =	vor.u32 v2, v23;
	v20 =	vld.idx.msk [tilespmem:v20+s22+$0x0], $0xffff  }
0x42: {  	v30 =	vor.u32 v3, v23;
	v26 =	vld.idx.msk [tilespmem:v26+s22+$0x0], $0xffff  }
0x43: {  	v31 =	vor.u32 v4, v23;
	v24 =	vld.idx.msk [tilespmem:v24+s22+$0x0], $0xffff  }
0x44: {  	v32 =	vor.u32 v5, v23;
	v27 =	vld.idx.msk [tilespmem:v27+s22+$0x0], $0xffff  }
0x45: {  	v21 =	vld.idx.msk [tilespmem:v21+s22+$0x0], $0xffff;
	[tilespmem:v28+s26+$0x0] =	vst.idx.msk $0xffff, v18;
	v18 =	vor.u32 v6, v23  }
0x46: {  	v28 =	vor.u32 $0x20, v17;
	[tilespmem:v29+s26+$0x0] =	vst.idx.msk $0xffff, v19;
	v19 =	vor.u32 v7, v23  }
0x47: {  	v29 =	vand.u32 $0x2F, v28;
	[tilespmem:v30+s26+$0x0] =	vst.idx.msk $0xffff, v22;
	v22 =	vor.u32 v8, v23  }
0x48: {  	v23 =	vor.u32 v11, v29;
	[tilespmem:v31+s26+$0x0] =	vst.idx.msk $0xffff, v24  }
0x49: {  	v24 =	vor.u32 v10, v29;
	[tilespmem:v32+s26+$0x0] =	vst.idx.msk $0xffff, v26  }
0x4a: {  	[tilespmem:v18+s26+$0x0] =	vst.idx.msk $0xffff, v27;
	v18 =	vor.u32 v9, v29  }
0x4b: {  	v26 =	vor.u32 v14, v29;
	[tilespmem:v19+s26+$0x0] =	vst.idx.msk $0xffff, v21  }
0x4c: {  	v27 =	vor.u32 v13, v29;
	v21 =	vshll.u32 v28, $0x7;
	[tilespmem:v22+s26+$0x0] =	vst.idx.msk $0xffff, v20  }
0x4d: {  	v19 =	vor.u32 v12, v29;
	v21 =	vand.u32 $0x1400, v21;
	v22 =	vld.idx.msk [tilespmem:v23+s22+$0x0], $0xffff  }
0x4e: {  	v20 =	vor.u32 v15, v29;
	v24 =	vld.idx.msk [tilespmem:v24+s22+$0x0], $0xffff;
	v21 =	vor.u32 v25, v21  }
0x4f: {  	v23 =	vor.u32 v16, v29;
	v28 =	vor.u32 v0, v21;
	v18 =	vld.idx.msk [tilespmem:v18+s22+$0x0], $0xffff  }
0x50: {  	v29 =	vor.u32 v2, v21;
	v26 =	vld.idx.msk [tilespmem:v26+s22+$0x0], $0xffff  }
0x51: {  	v30 =	vor.u32 v3, v21;
	v27 =	vld.idx.msk [tilespmem:v27+s22+$0x0], $0xffff  }
0x52: {  	v31 =	vor.u32 v4, v21;
	v19 =	vld.idx.msk [tilespmem:v19+s22+$0x0], $0xffff  }
0x53: {  	v63 =	vor.u32 v5, v21;
	v20 =	vld.idx.msk [tilespmem:v20+s22+$0x0], $0xffff  }
0x54: {  	v23 =	vld.idx.msk [tilespmem:v23+s22+$0x0], $0xffff;
	[tilespmem:v28+s26+$0x0] =	vst.idx.msk $0xffff, v18;
	v18 =	vor.u32 v6, v21  }
0x55: {  	v17 =	vor.u32 $0x30, v17;
	[tilespmem:v29+s26+$0x0] =	vst.idx.msk $0xffff, v24;
	v24 =	vor.u32 v7, v21  }
0x56: {  	v33 =	vand.u32 $0x3F, v17;
	v21 =	vor.u32 v8, v21;
	[tilespmem:v30+s26+$0x0] =	vst.idx.msk $0xffff, v22  }
0x57: {  	[tilespmem:v31+s26+$0x0] =	vst.idx.msk $0xffff, v19;
	v19 =	vor.u32 v11, v33  }
0x58: {  	v28 =	vor.u32 v9, v33;
	[tilespmem:v63+s26+$0x0] =	vst.idx.msk $0xffff, v20  }
0x59: {  	v22 =	vor.u32 v10, v33;
	[tilespmem:v18+s26+$0x0] =	vst.idx.msk $0xffff, v23  }
0x5a: {  	v30 =	vor.u32 v15, v33;
	[tilespmem:v24+s26+$0x0] =	vst.idx.msk $0xffff, v27  }
0x5b: {  	v24 =	vor.u32 v12, v33;
	[tilespmem:v21+s26+$0x0] =	vst.idx.msk $0xffff, v26  }
0x5c: {  	v17 =	vshll.u32 v17, $0x7;
	v29 =	vor.u32 v16, v33;
	v20 =	vld.idx.msk [tilespmem:v19+s22+$0x0], $0xffff  }
0x5d: {  	v17 =	vand.u32 $0x1C00, v17;
	v23 =	vld.idx.msk [tilespmem:v28+s22+$0x0], $0xffff;
	v28 =	vor.u32 v14, v33  }
0x5e: {  	v18 =	vor.u32 v25, v17;
	v27 =	vor.u32 v13, v33;
	v22 =	vld.idx.msk [tilespmem:v22+s22+$0x0], $0xffff  }
0x5f: {  	v26 =	vor.u32 v0, v18;
	v19 =	vld.idx.msk [tilespmem:v30+s22+$0x0], $0xffff  }
0x60: {  	s28 =	simm.s32 $0x1;
	v17 =	vor.u32 v4, v18;
	v25 =	vor.u32 v2, v18;
	v21 =	vld.idx.msk [tilespmem:v24+s22+$0x0], $0xffff;
	v24 =	vor.u32 v3, v18  }
.LBB2_5:
0x61: {  	p0 =	sne.s32 s28, $0xF;
	v29 =	vld.idx.msk [tilespmem:v29+s22+$0x0], $0xffff;
	s29 =	smov.u32 s28;
	s28 =	sadd.s32 $0x1, s28  }
0x62: {  	v30 =	vor.u32 v5, v18;
	v31 =	vor.u32 v8, v18;
	v28 =	vld.idx.msk [tilespmem:v28+s22+$0x0], $0xffff  }
0x63: {  	v33 =	vor.u32 v6, v18;
	v18 =	vor.u32 v7, v18;
	v32 =	vxor.u32 s29, v0;
	v27 =	vld.idx.msk [tilespmem:v27+s22+$0x0], $0xffff  }
0x64: {  	v34 =	vand.u32 $0xF, v32;
	v35 =	vshll.u32 v32, $0x7;
	v36 =	vor.u32 $0x10, v32;
	[tilespmem:v26+s26+$0x0] =	vst.idx.msk $0xffff, v23  }
0x65: {  	v23 =	vor.u32 v9, v34;
	v26 =	vor.u32 v10, v34;
	v37 =	vand.u32 $0x380, v35;
	[tilespmem:v25+s26+$0x0] =	vst.idx.msk $0xffff, v22  }
0x66: {  	v38 =	vshll.u32 v36, $0x7;
	v22 =	vor.u32 v12, v34;
	v25 =	vor.u32 v15, v34;
	[tilespmem:v24+s26+$0x0] =	vst.idx.msk $0xffff, v20  }
0x67: {  	v39 =	vor.u32 v14, v34;
	v24 =	vor.u32 v13, v34;
	v20 =	vand.u32 $0xC00, v38;
	[tilespmem:v17+s26+$0x0] =	vst.idx.msk $0xffff, v21  }
0x68: {  	v21 =	vor.u32 v11, v34;
	v38 =	vor.u32 v37, v20;
	v17 =	vor.u32 $0x20, v32;
	[tilespmem:v30+s26+$0x0] =	vst.idx.msk $0xffff, v19  }
0x69: {  	v32 =	vor.u32 $0x30, v32;
	v30 =	vand.u32 $0x2F, v17;
	v17 =	vshll.u32 v17, $0x7;
	[tilespmem:v33+s26+$0x0] =	vst.idx.msk $0xffff, v29  }
0x6a: {  	v19 =	vand.u32 $0x3F, v32;
	v29 =	vor.u32 v16, v34;
	v17 =	vand.u32 $0x1400, v17;
	[tilespmem:v18+s26+$0x0] =	vst.idx.msk $0xffff, v27  }
0x6b: {  	v20 =	vor.u32 v37, v17;
	v17 =	vshll.u32 v32, $0x7;
	[tilespmem:v31+s26+$0x0] =	vst.idx.msk $0xffff, v28  }
0x6c: {  	v17 =	vand.u32 $0x1C00, v17;
	v26 =	vld.idx.msk [tilespmem:v26+s22+$0x0], $0xffff  }
0x6d: {  	v18 =	vor.u32 v37, v17;
	v22 =	vld.idx.msk [tilespmem:v22+s22+$0x0], $0xffff  }
0x6e: {  	v17 =	vor.u32 v4, v18;
	v23 =	vld.idx.msk [tilespmem:v23+s22+$0x0], $0xffff  }
0x6f: {  	v27 =	vor.u32 v0, v35;
	v21 =	vld.idx.msk [tilespmem:v21+s22+$0x0], $0xffff  }
0x70: {  	v28 =	vor.u32 v2, v35;
	v24 =	vld.idx.msk [tilespmem:v24+s22+$0x0], $0xffff  }
0x71: {  	v32 =	vor.u32 v3, v35;
	v31 =	vld.idx.msk [tilespmem:v39+s22+$0x0], $0xffff  }
0x72: {  	v33 =	vor.u32 v4, v35;
	v25 =	vld.idx.msk [tilespmem:v25+s22+$0x0], $0xffff  }
0x73: {  	v34 =	vor.u32 v5, v35;
	v29 =	vld.idx.msk [tilespmem:v29+s22+$0x0], $0xffff  }
0x74: {  	[tilespmem:v27+s26+$0x0] =	vst.idx.msk $0xffff, v23;
	v23 =	vor.u32 v6, v35  }
0x75: {  	[tilespmem:v28+s26+$0x0] =	vst.idx.msk $0xffff, v26;
	v26 =	vor.u32 v7, v35  }
0x76: {  	v27 =	vand.u32 $0x1F, v36;
	[tilespmem:v32+s26+$0x0] =	vst.idx.msk $0xffff, v21;
	v21 =	vor.u32 v8, v35  }
0x77: {  	[tilespmem:v33+s26+$0x0] =	vst.idx.msk $0xffff, v22;
	v22 =	vor.u32 v10, v27  }
0x78: {  	[tilespmem:v34+s26+$0x0] =	vst.idx.msk $0xffff, v25;
	v25 =	vor.u32 v11, v27  }
0x79: {  	[tilespmem:v23+s26+$0x0] =	vst.idx.msk $0xffff, v29;
	v23 =	vor.u32 v9, v27  }
0x7a: {  	[tilespmem:v26+s26+$0x0] =	vst.idx.msk $0xffff, v24;
	v24 =	vor.u32 v14, v27  }
0x7b: {  	[tilespmem:v21+s26+$0x0] =	vst.idx.msk $0xffff, v31;
	v21 =	vor.u32 v13, v27  }
0x7c: {  	v26 =	vor.u32 v12, v27;
	v22 =	vld.idx.msk [tilespmem:v22+s22+$0x0], $0xffff  }
0x7d: {  	v28 =	vor.u32 v15, v27;
	v25 =	vld.idx.msk [tilespmem:v25+s22+$0x0], $0xffff  }
0x7e: {  	v27 =	vor.u32 v16, v27;
	v23 =	vld.idx.msk [tilespmem:v23+s22+$0x0], $0xffff  }
0x7f: {  	v29 =	vor.u32 v0, v38;
	v24 =	vld.idx.msk [tilespmem:v24+s22+$0x0], $0xffff  }
0x80: {  	v31 =	vor.u32 v2, v38;
	v21 =	vld.idx.msk [tilespmem:v21+s22+$0x0], $0xffff  }
0x81: {  	v32 =	vor.u32 v3, v38;
	v26 =	vld.idx.msk [tilespmem:v26+s22+$0x0], $0xffff  }
0x82: {  	v33 =	vor.u32 v4, v38;
	v28 =	vld.idx.msk [tilespmem:v28+s22+$0x0], $0xffff  }
0x83: {  	v34 =	vor.u32 v5, v38;
	v27 =	vld.idx.msk [tilespmem:v27+s22+$0x0], $0xffff  }
0x84: {  	[tilespmem:v29+s26+$0x0] =	vst.idx.msk $0xffff, v23;
	v23 =	vor.u32 v6, v38  }
0x85: {  	[tilespmem:v31+s26+$0x0] =	vst.idx.msk $0xffff, v22;
	v22 =	vor.u32 v7, v38  }
0x86: {  	[tilespmem:v32+s26+$0x0] =	vst.idx.msk $0xffff, v25;
	v25 =	vor.u32 v8, v38  }
0x87: {  	[tilespmem:v33+s26+$0x0] =	vst.idx.msk $0xffff, v26;
	v26 =	vor.u32 v11, v30  }
0x88: {  	[tilespmem:v34+s26+$0x0] =	vst.idx.msk $0xffff, v28;
	v28 =	vor.u32 v10, v30  }
0x89: {  	[tilespmem:v23+s26+$0x0] =	vst.idx.msk $0xffff, v27;
	v23 =	vor.u32 v9, v30  }
0x8a: {  	[tilespmem:v22+s26+$0x0] =	vst.idx.msk $0xffff, v21;
	v21 =	vor.u32 v12, v30  }
0x8b: {  	v22 =	vor.u32 v15, v30;
	[tilespmem:v25+s26+$0x0] =	vst.idx.msk $0xffff, v24  }
0x8c: {  	v25 =	vor.u32 v16, v30;
	v24 =	vld.idx.msk [tilespmem:v26+s22+$0x0], $0xffff  }
0x8d: {  	v27 =	vor.u32 v14, v30;
	v26 =	vld.idx.msk [tilespmem:v28+s22+$0x0], $0xffff  }
0x8e: {  	v28 =	vor.u32 v13, v30;
	v23 =	vld.idx.msk [tilespmem:v23+s22+$0x0], $0xffff  }
0x8f: {  	v29 =	vor.u32 v0, v20;
	v21 =	vld.idx.msk [tilespmem:v21+s22+$0x0], $0xffff  }
0x90: {  	v30 =	vor.u32 v2, v20;
	v22 =	vld.idx.msk [tilespmem:v22+s22+$0x0], $0xffff  }
0x91: {  	v31 =	vor.u32 v3, v20;
	v25 =	vld.idx.msk [tilespmem:v25+s22+$0x0], $0xffff  }
0x92: {  	v32 =	vor.u32 v4, v20;
	v27 =	vld.idx.msk [tilespmem:v27+s22+$0x0], $0xffff  }
0x93: {  	v33 =	vor.u32 v5, v20;
	v28 =	vld.idx.msk [tilespmem:v28+s22+$0x0], $0xffff  }
0x94: {  	[tilespmem:v29+s26+$0x0] =	vst.idx.msk $0xffff, v23;
	v23 =	vor.u32 v6, v20  }
0x95: {  	[tilespmem:v30+s26+$0x0] =	vst.idx.msk $0xffff, v26;
	v26 =	vor.u32 v7, v20  }
0x96: {  	v20 =	vor.u32 v8, v20;
	[tilespmem:v31+s26+$0x0] =	vst.idx.msk $0xffff, v24  }
0x97: {  	[tilespmem:v32+s26+$0x0] =	vst.idx.msk $0xffff, v21;
	v21 =	vor.u32 v11, v19  }
0x98: {  	v24 =	vor.u32 v9, v19;
	[tilespmem:v33+s26+$0x0] =	vst.idx.msk $0xffff, v22;
	v22 =	vor.u32 v10, v19  }
0x99: {  	[tilespmem:v23+s26+$0x0] =	vst.idx.msk $0xffff, v25  }
0x9a: {  	v25 =	vor.u32 v12, v19;
	[tilespmem:v26+s26+$0x0] =	vst.idx.msk $0xffff, v28  }
0x9b: {  	v30 =	vor.u32 v15, v19;
	[tilespmem:v20+s26+$0x0] =	vst.idx.msk $0xffff, v27  }
.Ltmp0:
0x9c: {  	v29 =	vor.u32 v16, v19;
	v20 =	vld.idx.msk [tilespmem:v21+s22+$0x0], $0xffff;
	(pc) =	sbr.rel @p0 .LBB2_5-.Ltmp0, $4  }
0x9d: {  	v28 =	vor.u32 v14, v19;
	v22 =	vld.idx.msk [tilespmem:v22+s22+$0x0], $0xffff  }
0x9e: {  	v26 =	vor.u32 v0, v18;
	v27 =	vor.u32 v13, v19;
	v23 =	vld.idx.msk [tilespmem:v24+s22+$0x0], $0xffff  }
0x9f: {  	v21 =	vld.idx.msk [tilespmem:v25+s22+$0x0], $0xffff;
	v25 =	vor.u32 v2, v18  }
0xa0: {  	v24 =	vor.u32 v3, v18;
	v19 =	vld.idx.msk [tilespmem:v30+s22+$0x0], $0xffff  }
0xa1: {  	_ =	sdelay $0x3  }
0xa2: {  	v9 =	vld.idx.msk [tilespmem:v29+s22+$0x0], $0xffff  }
0xa3: {  	v10 =	vld.idx.msk [tilespmem:v28+s22+$0x0], $0xffff;
	v11 =	vor.u32 v5, v18  }
0xa4: {  	v12 =	vld.idx.msk [tilespmem:v27+s22+$0x0], $0xffff;
	v13 =	vor.u32 v6, v18;
	[tilespmem:v26+s26+$0x0] =	vst.idx.msk $0xffff, v23  }
0xa5: {  	v14 =	vor.u32 v7, v18;
	s25 =	sadd.s32 s8, s25;
	[tilespmem:v25+s26+$0x0] =	vst.idx.msk $0xffff, v22  }
0xa6: {  	v15 =	vor.u32 v8, v18;
	s24 =	sadd.s32 $0x1, s24;
	s28 =	sshrl.u32 s25, $0x7;
	[tilespmem:v24+s26+$0x0] =	vst.idx.msk $0xffff, v20  }
0xa7: {  	s25 =	sshll.u32 s25, $0xA;
	p0 =	seq.s32 s24, $0x4;
	s29 =	sshll.u32 s28, $0x11;
	[tilespmem:v17+s26+$0x0] =	vst.idx.msk $0xffff, v21  }
.Ltmp1:
0xa8: {  	s28 =	sshll.u32 s28, $0x14;
	s25 =	ssub.s32 s25, s29;
	[tilespmem:v11+s26+$0x0] =	vst.idx.msk $0xffff, v19;
	(pc) =	sbr.rel @!p0 .LBB2_4-.Ltmp1, $4  }
0xa9: {  	s25 =	sadd.s32 s28, s25;
	[tilespmem:v13+s26+$0x0] =	vst.idx.msk $0xffff, v9  }
0xaa: {  	s25 =	sshrl.u32 s25, $0x3;
	[tilespmem:v14+s26+$0x0] =	vst.idx.msk $0xffff, v12  }
0xab: {  	s25 =	sadd.s32 s2, s25;
	[tilespmem:v15+s26+$0x0] =	vst.idx.msk $0xffff, v10  }
0xac: {  	[hbm4b:s25+s15] =	stream.strided.scatter [tilespmem:s26], [sflag:$0x3], $0x2000, s17, s15, $0x38;
	[tilespmem:$0x1A800] =	vst v63  }
0xad: {  	p0 =	seq.s32 s20, $0xC8  }
.Ltmp2:
0xae: {  	_ = 	snop;
	(pc) =	sbr.rel @!p0 .LBB2_3-.Ltmp2, $1  }
0xaf: {  	_ =	sdelay $0x3  }
0xb0: {  	_ =	swait.ge [sflag:s18], $0x2000  }
0xb1: {  	[sflag:s18] =	ssyncset.done $0x0  }
0xb2: {  	[sflag:s18] =	ssyncadd.s32 $0xFFFFE000  }
0xb3: {  	_ =	swait.ge [sflag:s18], $0x2000  }
0xb4: {  	[sflag:s18] =	ssyncset.done $0x0  }
0xb5: {  	[sflag:s18] =	ssyncadd.s32 $0xFFFFE000  }
0xb6: {  	_ =	swait.ge [sflag:s18], $0x2000  }
0xb7: {  	[sflag:s18] =	ssyncset.done $0x0  }
0xb8: {  	s19 =	sadd.s32 $0x1, s19;
	[sflag:s18] =	ssyncadd.s32 $0xFFFFE000  }
0xb9: {  	p0 =	sne.s32 s19, s11;
	_ =	swait.ge [sflag:s18], $0x2000  }
.Ltmp3:
0xba: {  	[sflag:s18] =	ssyncset.done $0x0;
	(pc) =	sbr.rel @p0 .LBB2_1-.Ltmp3, $4  }
0xbb: {  	[sflag:s18] =	ssyncadd.s32 $0xFFFFE000  }
0xbc: {  	_ =	swait.ge [sflag:s18], $0x2000  }
0xbd: {  	[sflag:s18] =	ssyncset.done $0x0  }
0xbe: {  	[sflag:s18] =	ssyncadd.s32 $0xFFFFE000  }
0xbf: {  	_ =	sfence.sel $0x180000  }
0xc0: {  	[bflag:$0x0] =	sbarrier.arrive $0xFFFF  }
0xc1: {  	p0 =	sne.s32 s0, $0x0;
	_ =	strace $0x90000047  }
0xc2: {  	s0 =	sadd.s32 @!p0 $0x100000, s1;
	[bflag:$0x2] =	sbarrier.arrive $0xFFFF  }
0xc3: {  	[sflag:s0] =	ssyncadd.tile.s32 @!p0 $0x1;
	_ =	shalt  }
.Lfunc_end2:
_tile_overlayer_lowered:
.L_overlay_start_2:
0xc4: {  	(tag) =	ssettag $0x2  }
0xc5: {  	s0 =	rddreg [dreg:$0x0];
	s2 =	stileid.u32  }
0xc6: {  	s1 =	rddreg [dreg:$0x1];
	p0 =	sne.s32 s2, $0x0  }
0xc7: {  	s3 =	rddreg [dreg:$0x2];
	[bflag:$0x3] =	sbarrier.arrive $0xFFFF;
	s2 =	simm.s32 @!p0 $0x1C04  }
0xc8: {  	[timem:s3], [sflag:s2] =	dma.local @!p0 [hbm:s0], s1  }
0xc9: {  	s0 =	simm.s32 @!p0 $0x4  }
0xca: {  	_ =	swait.ge @!p0 [sflag:s0], s1  }
0xcb: {  	s1 =	ssub.s32 @!p0 $0x0, s1;
	[sflag:s0] =	ssyncset.done @!p0 $0x0  }
0xcc: {  	[sflag:s0] =	ssyncadd.s32 @!p0 s1  }
0xcd: {  	[bflag:$0x3] =	sbarrier.arrive $0xFFFF  }
0xce: {  	_ =	shalt  }

</sc_bundles>
